<compile_context>
chip_gen: v7x
topology: tpu7x:2x2x1
jax: 0.10.2.dev20260603
libtpu: 0.0.44.dev20260713+nightly
codegen_flags: <defaults>
</compile_context>

<pallas_src>
import functools

import jax
import jax.numpy as jnp
from jax import lax
from jax.experimental import pallas as pl
from jax.experimental.pallas import tpu as pltpu
from jax.experimental.pallas import tpu_sc as plsc

N_NODES = 100000
NUM_TYPES = 128

NC = 2
NS = 16
NW = NC * NS

RPW = 3200
LAST_BASE = (NW - 1) * RPW
LAST_ROWS = N_NODES - LAST_BASE
C = 80
GROUPS = C // 16

_mesh = plsc.VectorSubcoreMesh(core_axis_name="c", subcore_axis_name="s")


@functools.partial(
    pl.kernel,
    mesh=_mesh,
    compiler_params=pltpu.CompilerParams(
        needs_layout_passes=False,
        disable_bounds_checks=True,
        disable_semaphore_checks=True,
    ),
    out_type=jax.ShapeDtypeStruct((N_NODES, NUM_TYPES), jnp.float32),
    scratch_types=[
        pltpu.VMEM((RPW,), jnp.int32),
        pltpu.VMEM((C, NUM_TYPES), jnp.float32),
        pltpu.VMEM((C, NUM_TYPES), jnp.float32),
        pltpu.SemaphoreType.DMA,
        pltpu.SemaphoreType.DMA,
    ],
)
def _onehot_sc(a_hbm, out_hbm, idx_v, buf0, buf1, sem0, sem1):
    wid = lax.axis_index("s") * NC + lax.axis_index("c")
    base = wid * RPW
    rows_w = jnp.minimum(RPW, N_NODES - base)
    npairs = rows_w // (2 * C)

    @pl.when(wid < NW - 1)
    def _():
        pltpu.make_async_copy(a_hbm.at[pl.ds(base, RPW)], idx_v, sem0).start()

    @pl.when(wid == NW - 1)
    def _():
        pltpu.make_async_copy(a_hbm.at[pl.ds(LAST_BASE, LAST_ROWS)],
                              idx_v.at[pl.ds(0, LAST_ROWS)], sem0).start()

    iota16 = lax.iota(jnp.int32, 16)
    ones16 = jnp.ones((16,), jnp.float32)
    zeros16 = jnp.zeros((16,), jnp.float32)
    bufs = (buf0, buf1)
    sems = (sem0, sem1)

    def zrow(r, carry):
        for k in range(NUM_TYPES // 16):
            buf0[r, pl.ds(k * 16, 16)] = zeros16
            buf1[r, pl.ds(k * 16, 16)] = zeros16
        return carry

    lax.fori_loop(0, C, zrow, 0)

    @pl.when(wid < NW - 1)
    def _():
        pltpu.make_async_copy(a_hbm.at[pl.ds(base, RPW)], idx_v, sem0).wait()

    @pl.when(wid == NW - 1)
    def _():
        pltpu.make_async_copy(a_hbm.at[pl.ds(LAST_BASE, LAST_ROWS)],
                              idx_v.at[pl.ds(0, LAST_ROWS)], sem0).wait()

    def scat(buf, ci, vals):
        for g in range(GROUPS):
            a = idx_v[pl.ds(ci * C + g * 16, 16)]
            rows = g * 16 + iota16
            plsc.store_scatter(buf, [rows, a], vals)

    def pair(p, carry):
        for b in range(2):
            ci = 2 * p + b
            buf = bufs[b]
            sem = sems[b]
            row0 = base + ci * C

            @pl.when(p > 0)
            def _():
                pltpu.make_async_copy(buf, out_hbm.at[pl.ds(row0, C)], sem).wait()
                scat(buf, ci - 2, zeros16)

            scat(buf, ci, ones16)
            pltpu.make_async_copy(buf, out_hbm.at[pl.ds(row0, C)], sem).start()
        return carry

    lax.fori_loop(0, npairs, pair, 0)

    pltpu.make_async_copy(buf0, out_hbm.at[pl.ds(0, C)], sem0).wait()
    pltpu.make_async_copy(buf1, out_hbm.at[pl.ds(0, C)], sem1).wait()


@jax.jit
def kernel(atomic_numbers, positions):
    del positions
    return _onehot_sc(atomic_numbers)

# --- scband reference (transcript-rebuilt; emitter-appended) ---
"""Pipeline reference for scband-embedding-block-q-59674275611215 (READ-ONLY COPY).

The authoritative reference and input builder live on the scoring server;
editing this copy changes nothing except your own understanding.
"""

import jax, jax.numpy as jnp
import numpy as np

NUM_TYPES = 128
N_NODES = 100000

def setup_inputs(seed: int = 0) -> dict:
    key = jax.random.key(seed)
    k1, k2 = jax.random.split(key)
    atomic_numbers = jax.random.randint(k1, (N_NODES,), 0, NUM_TYPES, dtype=jnp.int64 if jax.config.read('jax_enable_x64') else jnp.int32).astype(jnp.int32)
    positions = jax.random.normal(k2, (N_NODES, 3), dtype=jnp.float32)
    return {"atomic_numbers": atomic_numbers, "positions": positions}

def reference(atomic_numbers, positions):
    # Faithful translation of Embedding_block_q.forward with apply_charge_doping=False:
    # node_attrs = one_hot(type_numbers, num_types) cast to positions.dtype.
    # NODE_ATTRS and NODE_FEATURES are the same tensor (set_features=True).
    node_attrs = jax.nn.one_hot(atomic_numbers, NUM_TYPES, dtype=positions.dtype)
    return node_attrs

if __name__ == "__main__":
    import jax
    _d = setup_inputs()
    print(jax.jit(kernel)(*tuple(_d.values())))

</pallas_src>

<mosaic_0001>
#map = affine_map<(d0, d1) -> (0)>
#map1 = affine_map<(d0, d1) -> (0, 0)>
module attributes {stable_mosaic.version = 14 : i64} {
  func.func @_onehot_sc(%arg0: i32, %arg1: i32, %arg2: memref<100000xi32, #tpu.memory_space<hbm>>, %arg3: memref<100000x128xf32, #tpu.memory_space<hbm>>, %arg4: memref<3200xi32, #tpu.memory_space<vmem>>, %arg5: memref<80x128xf32, #tpu.memory_space<vmem>>, %arg6: memref<80x128xf32, #tpu.memory_space<vmem>>, %arg7: memref<!tpu.dma_semaphore, #tpu.memory_space<semaphore_mem>>, %arg8: memref<!tpu.dma_semaphore, #tpu.memory_space<semaphore_mem>>) attributes {dimension_semantics = [#tpu.dimension_semantics<core_parallel>, #tpu.dimension_semantics<subcore_parallel>], iteration_bounds = array<i64: 2, 16>, scalar_prefetch = 0 : i64, scratch_operands = 5 : i64, tpu.core_type = #tpu.core_type<sc_vector_subcore>, window_params = [{transform_indices = #map}, {transform_indices = #map1}]} {
    %mul3A = arith.constant 2 : i32
    %mul3A_0 = arith.muli %arg1, %mul3A : i32
    %add3A = arith.addi %mul3A_0, %arg0 : i32
    %mul3A_1 = arith.constant 3200 : i32
    %mul3A_2 = arith.muli %add3A, %mul3A_1 : i32
    %sub3A = arith.constant 100000 : i32
    %sub3A_3 = arith.subi %sub3A, %mul3A_2 : i32
    %min3A = arith.constant 3200 : i32
    %min3A_4 = arith.minsi %min3A, %sub3A_3 : i32
    %jit3A = arith.constant 160 : i32
    %div3A = arith.divsi %min3A_4, %jit3A : i32
    %sign3A = arith.constant 0 : i32
    %sign3A_5 = arith.cmpi sgt, %min3A_4, %sign3A : i32
    %sign3A_6 = arith.extui %sign3A_5 : i1 to i32
    %sign3A_7 = arith.constant 0 : i32
    %sign3A_8 = arith.cmpi slt, %min3A_4, %sign3A_7 : i32
    %sign3A_9 = arith.extui %sign3A_8 : i1 to i32
    %sign3A_10 = arith.subi %sign3A_6, %sign3A_9 : i32
    %sign3A_11 = arith.constant 0 : i32
    %sign3A_12 = arith.cmpi sgt, %jit3A, %sign3A_11 : i32
    %sign3A_13 = arith.extui %sign3A_12 : i1 to i32
    %sign3A_14 = arith.constant 0 : i32
    %sign3A_15 = arith.cmpi slt, %jit3A, %sign3A_14 : i32
    %sign3A_16 = arith.extui %sign3A_15 : i1 to i32
    %sign3A_17 = arith.subi %sign3A_13, %sign3A_16 : i32
    %ne3A = arith.cmpi ne, %sign3A_10, %sign3A_17 : i32
    %rem3A = arith.remsi %min3A_4, %jit3A : i32
    %ne3A_18 = arith.constant 0 : i32
    %ne3A_19 = arith.cmpi ne, %rem3A, %ne3A_18 : i32
    %and3A = arith.andi %ne3A, %ne3A_19 : i1
    %sub3A_20 = arith.constant 1 : i32
    %sub3A_21 = arith.subi %div3A, %sub3A_20 : i32
    %select_n3A = arith.select %and3A, %sub3A_21, %div3A : i32
    %lt3A = arith.constant 31 : i32
    %lt3A_22 = arith.cmpi slt, %add3A, %lt3A : i32
    %convert_element_type3A = arith.extui %lt3A_22 : i1 to i32
    %cond3A = arith.constant 0 : i32
    %cond3A_23 = arith.cmpi ne, %convert_element_type3A, %cond3A : i32
    scf.if %cond3A_23 {
      %dma_start3A = tpu.memref_slice %arg2[%mul3A_2] : memref<100000xi32, #tpu.memory_space<hbm>> -> memref<3200xi32, #tpu.memory_space<hbm>>
      %dma_start3A_66 = tpu.memref_slice %arg2[%mul3A_2] : memref<100000xi32, #tpu.memory_space<hbm>> -> memref<3200xi32, #tpu.memory_space<hbm>>
      tpu.enqueue_dma source(%dma_start3A_66 : memref<3200xi32, #tpu.memory_space<hbm>>) target(%arg4 : memref<3200xi32, #tpu.memory_space<vmem>>) target_semaphore(%arg7 : memref<!tpu.dma_semaphore, #tpu.memory_space<semaphore_mem>>)
    } else {
    }
    %eq3A = arith.constant 31 : i32
    %eq3A_24 = arith.cmpi eq, %add3A, %eq3A : i32
    %convert_element_type3A_25 = arith.extui %eq3A_24 : i1 to i32
    %cond3A_26 = arith.constant 0 : i32
    %cond3A_27 = arith.cmpi ne, %convert_element_type3A_25, %cond3A_26 : i32
    scf.if %cond3A_27 {
      %dma_start3A = arith.constant 0 : i32
      %dma_start3A_66 = tpu.memref_slice %arg4[%dma_start3A] : memref<3200xi32, #tpu.memory_space<vmem>> -> memref<800xi32, #tpu.memory_space<vmem>>
      %dma_start3A_67 = arith.constant 99200 : i32
      %dma_start3A_68 = tpu.memref_slice %arg2[%dma_start3A_67] : memref<100000xi32, #tpu.memory_space<hbm>> -> memref<800xi32, #tpu.memory_space<hbm>>
      %dma_start3A_69 = arith.constant 0 : i32
      %dma_start3A_70 = tpu.memref_slice %arg4[%dma_start3A_69] : memref<3200xi32, #tpu.memory_space<vmem>> -> memref<800xi32, #tpu.memory_space<vmem>>
      %dma_start3A_71 = arith.constant 99200 : i32
      %dma_start3A_72 = tpu.memref_slice %arg2[%dma_start3A_71] : memref<100000xi32, #tpu.memory_space<hbm>> -> memref<800xi32, #tpu.memory_space<hbm>>
      tpu.enqueue_dma source(%dma_start3A_72 : memref<800xi32, #tpu.memory_space<hbm>>) target(%dma_start3A_70 : memref<800xi32, #tpu.memory_space<vmem>>) target_semaphore(%arg7 : memref<!tpu.dma_semaphore, #tpu.memory_space<semaphore_mem>>)
    } else {
    }
    %iota3A = tpu.iota {dimensions = array<i32: 0>} : vector<16xi32>
    %broadcast_in_dim3A = arith.constant 1.000000e+00 : f32
    %broadcast_in_dim3A_28 = vector.broadcast %broadcast_in_dim3A : f32 to vector<16xf32>
    %broadcast_in_dim3A_29 = arith.constant 0.000000e+00 : f32
    %broadcast_in_dim3A_30 = vector.broadcast %broadcast_in_dim3A_29 : f32 to vector<16xf32>
    %scan3A = arith.constant 0 : i32
    %scan3A_31 = arith.constant 0 : i32
    %scan3A_32 = arith.constant 80 : i32
    %scan3A_33 = arith.addi %scan3A_31, %scan3A_32 : i32
    %scan3A_34 = arith.constant 1 : i32
    scf.for %scan3A_66 = %scan3A_31 to %scan3A_33 step %scan3A_34  : i32 {
      %swap3A = arith.index_cast %scan3A_66 : i32 to index
      %swap3A_67 = arith.constant 0 : index
      %swap3A_68 = tpu.vector_load %arg5[%swap3A, %swap3A_67] {strides = array<i32>} : memref<80x128xf32, #tpu.memory_space<vmem>>, vector<16xf32>,
      tpu.vector_store %arg5[%swap3A, %swap3A_67], %broadcast_in_dim3A_30 {strides = array<i32>} : memref<80x128xf32, #tpu.memory_space<vmem>>, vector<16xf32>,
      %swap3A_69 = arith.index_cast %scan3A_66 : i32 to index
      %swap3A_70 = arith.constant 0 : index
      %swap3A_71 = tpu.vector_load %arg6[%swap3A_69, %swap3A_70] {strides = array<i32>} : memref<80x128xf32, #tpu.memory_space<vmem>>, vector<16xf32>,
      tpu.vector_store %arg6[%swap3A_69, %swap3A_70], %broadcast_in_dim3A_30 {strides = array<i32>} : memref<80x128xf32, #tpu.memory_space<vmem>>, vector<16xf32>,
      %swap3A_72 = arith.index_cast %scan3A_66 : i32 to index
      %swap3A_73 = arith.constant 16 : index
      %swap3A_74 = tpu.vector_load %arg5[%swap3A_72, %swap3A_73] {strides = array<i32>} : memref<80x128xf32, #tpu.memory_space<vmem>>, vector<16xf32>,
      tpu.vector_store %arg5[%swap3A_72, %swap3A_73], %broadcast_in_dim3A_30 {strides = array<i32>} : memref<80x128xf32, #tpu.memory_space<vmem>>, vector<16xf32>,
      %swap3A_75 = arith.index_cast %scan3A_66 : i32 to index
      %swap3A_76 = arith.constant 16 : index
      %swap3A_77 = tpu.vector_load %arg6[%swap3A_75, %swap3A_76] {strides = array<i32>} : memref<80x128xf32, #tpu.memory_space<vmem>>, vector<16xf32>,
      tpu.vector_store %arg6[%swap3A_75, %swap3A_76], %broadcast_in_dim3A_30 {strides = array<i32>} : memref<80x128xf32, #tpu.memory_space<vmem>>, vector<16xf32>,
      %swap3A_78 = arith.index_cast %scan3A_66 : i32 to index
      %swap3A_79 = arith.constant 32 : index
      %swap3A_80 = tpu.vector_load %arg5[%swap3A_78, %swap3A_79] {strides = array<i32>} : memref<80x128xf32, #tpu.memory_space<vmem>>, vector<16xf32>,
      tpu.vector_store %arg5[%swap3A_78, %swap3A_79], %broadcast_in_dim3A_30 {strides = array<i32>} : memref<80x128xf32, #tpu.memory_space<vmem>>, vector<16xf32>,
      %swap3A_81 = arith.index_cast %scan3A_66 : i32 to index
      %swap3A_82 = arith.constant 32 : index
      %swap3A_83 = tpu.vector_load %arg6[%swap3A_81, %swap3A_82] {strides = array<i32>} : memref<80x128xf32, #tpu.memory_space<vmem>>, vector<16xf32>,
      tpu.vector_store %arg6[%swap3A_81, %swap3A_82], %broadcast_in_dim3A_30 {strides = array<i32>} : memref<80x128xf32, #tpu.memory_space<vmem>>, vector<16xf32>,
      %swap3A_84 = arith.index_cast %scan3A_66 : i32 to index
      %swap3A_85 = arith.constant 48 : index
      %swap3A_86 = tpu.vector_load %arg5[%swap3A_84, %swap3A_85] {strides = array<i32>} : memref<80x128xf32, #tpu.memory_space<vmem>>, vector<16xf32>,
      tpu.vector_store %arg5[%swap3A_84, %swap3A_85], %broadcast_in_dim3A_30 {strides = array<i32>} : memref<80x128xf32, #tpu.memory_space<vmem>>, vector<16xf32>,
      %swap3A_87 = arith.index_cast %scan3A_66 : i32 to index
      %swap3A_88 = arith.constant 48 : index
      %swap3A_89 = tpu.vector_load %arg6[%swap3A_87, %swap3A_88] {strides = array<i32>} : memref<80x128xf32, #tpu.memory_space<vmem>>, vector<16xf32>,
      tpu.vector_store %arg6[%swap3A_87, %swap3A_88], %broadcast_in_dim3A_30 {strides = array<i32>} : memref<80x128xf32, #tpu.memory_space<vmem>>, vector<16xf32>,
      %swap3A_90 = arith.index_cast %scan3A_66 : i32 to index
      %swap3A_91 = arith.constant 64 : index
      %swap3A_92 = tpu.vector_load %arg5[%swap3A_90, %swap3A_91] {strides = array<i32>} : memref<80x128xf32, #tpu.memory_space<vmem>>, vector<16xf32>,
      tpu.vector_store %arg5[%swap3A_90, %swap3A_91], %broadcast_in_dim3A_30 {strides = array<i32>} : memref<80x128xf32, #tpu.memory_space<vmem>>, vector<16xf32>,
      %swap3A_93 = arith.index_cast %scan3A_66 : i32 to index
      %swap3A_94 = arith.constant 64 : index
      %swap3A_95 = tpu.vector_load %arg6[%swap3A_93, %swap3A_94] {strides = array<i32>} : memref<80x128xf32, #tpu.memory_space<vmem>>, vector<16xf32>,
      tpu.vector_store %arg6[%swap3A_93, %swap3A_94], %broadcast_in_dim3A_30 {strides = array<i32>} : memref<80x128xf32, #tpu.memory_space<vmem>>, vector<16xf32>,
      %swap3A_96 = arith.index_cast %scan3A_66 : i32 to index
      %swap3A_97 = arith.constant 80 : index
      %swap3A_98 = tpu.vector_load %arg5[%swap3A_96, %swap3A_97] {strides = array<i32>} : memref<80x128xf32, #tpu.memory_space<vmem>>, vector<16xf32>,
      tpu.vector_store %arg5[%swap3A_96, %swap3A_97], %broadcast_in_dim3A_30 {strides = array<i32>} : memref<80x128xf32, #tpu.memory_space<vmem>>, vector<16xf32>,
      %swap3A_99 = arith.index_cast %scan3A_66 : i32 to index
      %swap3A_100 = arith.constant 80 : index
      %swap3A_101 = tpu.vector_load %arg6[%swap3A_99, %swap3A_100] {strides = array<i32>} : memref<80x128xf32, #tpu.memory_space<vmem>>, vector<16xf32>,
      tpu.vector_store %arg6[%swap3A_99, %swap3A_100], %broadcast_in_dim3A_30 {strides = array<i32>} : memref<80x128xf32, #tpu.memory_space<vmem>>, vector<16xf32>,
      %swap3A_102 = arith.index_cast %scan3A_66 : i32 to index
      %swap3A_103 = arith.constant 96 : index
      %swap3A_104 = tpu.vector_load %arg5[%swap3A_102, %swap3A_103] {strides = array<i32>} : memref<80x128xf32, #tpu.memory_space<vmem>>, vector<16xf32>,
      tpu.vector_store %arg5[%swap3A_102, %swap3A_103], %broadcast_in_dim3A_30 {strides = array<i32>} : memref<80x128xf32, #tpu.memory_space<vmem>>, vector<16xf32>,
      %swap3A_105 = arith.index_cast %scan3A_66 : i32 to index
      %swap3A_106 = arith.constant 96 : index
      %swap3A_107 = tpu.vector_load %arg6[%swap3A_105, %swap3A_106] {strides = array<i32>} : memref<80x128xf32, #tpu.memory_space<vmem>>, vector<16xf32>,
      tpu.vector_store %arg6[%swap3A_105, %swap3A_106], %broadcast_in_dim3A_30 {strides = array<i32>} : memref<80x128xf32, #tpu.memory_space<vmem>>, vector<16xf32>,
      %swap3A_108 = arith.index_cast %scan3A_66 : i32 to index
      %swap3A_109 = arith.constant 112 : index
      %swap3A_110 = tpu.vector_load %arg5[%swap3A_108, %swap3A_109] {strides = array<i32>} : memref<80x128xf32, #tpu.memory_space<vmem>>, vector<16xf32>,
      tpu.vector_store %arg5[%swap3A_108, %swap3A_109], %broadcast_in_dim3A_30 {strides = array<i32>} : memref<80x128xf32, #tpu.memory_space<vmem>>, vector<16xf32>,
      %swap3A_111 = arith.index_cast %scan3A_66 : i32 to index
      %swap3A_112 = arith.constant 112 : index
      %swap3A_113 = tpu.vector_load %arg6[%swap3A_111, %swap3A_112] {strides = array<i32>} : memref<80x128xf32, #tpu.memory_space<vmem>>, vector<16xf32>,
      tpu.vector_store %arg6[%swap3A_111, %swap3A_112], %broadcast_in_dim3A_30 {strides = array<i32>} : memref<80x128xf32, #tpu.memory_space<vmem>>, vector<16xf32>,
    }
    %scan3A_35 = arith.constant 80 : i32
    %lt3A_36 = arith.constant 31 : i32
    %lt3A_37 = arith.cmpi slt, %add3A, %lt3A_36 : i32
    %convert_element_type3A_38 = arith.extui %lt3A_37 : i1 to i32
    %cond3A_39 = arith.constant 0 : i32
    %cond3A_40 = arith.cmpi ne, %convert_element_type3A_38, %cond3A_39 : i32
    scf.if %cond3A_40 {
      %dma_wait3A_66 = tpu.memref_slice %arg2[%mul3A_2] : memref<100000xi32, #tpu.memory_space<hbm>> -> memref<3200xi32, #tpu.memory_space<hbm>>
      %dma_wait3A_67 = tpu.memref_slice %arg2[%mul3A_2] : memref<100000xi32, #tpu.memory_space<hbm>> -> memref<3200xi32, #tpu.memory_space<hbm>>
      tpu.wait_dma2 semaphore(%arg7 : memref<!tpu.dma_semaphore, #tpu.memory_space<semaphore_mem>>) src(%dma_wait3A_67 : memref<3200xi32, #tpu.memory_space<hbm>>) dst(%arg4 : memref<3200xi32, #tpu.memory_space<vmem>>)
    } else {
    }
    %eq3A_41 = arith.constant 31 : i32
    %eq3A_42 = arith.cmpi eq, %add3A, %eq3A_41 : i32
    %convert_element_type3A_43 = arith.extui %eq3A_42 : i1 to i32
    %cond3A_44 = arith.constant 0 : i32
    %cond3A_45 = arith.cmpi ne, %convert_element_type3A_43, %cond3A_44 : i32
    scf.if %cond3A_45 {
      %dma_wait3A_66 = arith.constant 0 : i32
      %dma_wait3A_67 = tpu.memref_slice %arg4[%dma_wait3A_66] : memref<3200xi32, #tpu.memory_space<vmem>> -> memref<800xi32, #tpu.memory_space<vmem>>
      %dma_wait3A_68 = arith.constant 99200 : i32
      %dma_wait3A_69 = tpu.memref_slice %arg2[%dma_wait3A_68] : memref<100000xi32, #tpu.memory_space<hbm>> -> memref<800xi32, #tpu.memory_space<hbm>>
      %dma_wait3A_70 = arith.constant 0 : i32
      %dma_wait3A_71 = tpu.memref_slice %arg4[%dma_wait3A_70] : memref<3200xi32, #tpu.memory_space<vmem>> -> memref<800xi32, #tpu.memory_space<vmem>>
      %dma_wait3A_72 = arith.constant 99200 : i32
      %dma_wait3A_73 = tpu.memref_slice %arg2[%dma_wait3A_72] : memref<100000xi32, #tpu.memory_space<hbm>> -> memref<800xi32, #tpu.memory_space<hbm>>
      tpu.wait_dma2 semaphore(%arg7 : memref<!tpu.dma_semaphore, #tpu.memory_space<semaphore_mem>>) src(%dma_wait3A_73 : memref<800xi32, #tpu.memory_space<hbm>>) dst(%dma_wait3A_71 : memref<800xi32, #tpu.memory_space<vmem>>)
    } else {
    }
    %while3A = arith.constant 0 : i32
    %while3A_46 = arith.constant 0 : i32
    %while3A_47 = arith.subi %select_n3A, %while3A_46 : i32
    %while3A_48 = arith.addi %while3A_46, %while3A_47 : i32
    %while3A_49 = arith.constant 1 : i32
    %while3A_50 = arith.divsi %while3A_47, %while3A_49 : i32
    %while3A_51 = arith.muli %while3A_50, %while3A_49 : i32
    %while3A_52 = arith.addi %while3A_46, %while3A_51 : i32
    %while3A_53 = arith.constant 1 : i32
    scf.for %while3A_66 = %while3A_46 to %while3A_52 step %while3A_53  : i32 {
      %mul3A_67 = arith.constant 2 : i32
      %mul3A_68 = arith.muli %mul3A_67, %while3A_66 : i32
      %add3A_69 = arith.constant 0 : i32
      %add3A_70 = arith.addi %mul3A_68, %add3A_69 : i32
      %mul3A_71 = arith.constant 80 : i32
      %mul3A_72 = arith.muli %add3A_70, %mul3A_71 : i32
      %add3A_73 = arith.addi %mul3A_2, %mul3A_72 : i32
      %gt3A = arith.constant 0 : i32
      %gt3A_74 = arith.cmpi sgt, %while3A_66, %gt3A : i32
      %convert_element_type3A_75 = arith.extui %gt3A_74 : i1 to i32
      %cond3A_76 = arith.constant 0 : i32
      %cond3A_77 = arith.cmpi ne, %convert_element_type3A_75, %cond3A_76 : i32
      scf.if %cond3A_77 {
        %dma_wait3A_186 = arith.constant 0 : i32
        %dma_wait3A_187 = tpu.memref_slice %arg3[%add3A_73, %dma_wait3A_186] : memref<100000x128xf32, #tpu.memory_space<hbm>> -> memref<80x128xf32, #tpu.memory_space<hbm>>
        %dma_wait3A_188 = arith.constant 0 : i32
        %dma_wait3A_189 = tpu.memref_slice %arg3[%add3A_73, %dma_wait3A_188] : memref<100000x128xf32, #tpu.memory_space<hbm>> -> memref<80x128xf32, #tpu.memory_space<hbm>>
        tpu.wait_dma2 semaphore(%arg7 : memref<!tpu.dma_semaphore, #tpu.memory_space<semaphore_mem>>) src(%arg5 : memref<80x128xf32, #tpu.memory_space<vmem>>) dst(%dma_wait3A_189 : memref<80x128xf32, #tpu.memory_space<hbm>>)
        %sub3A_190 = arith.constant 2 : i32
        %sub3A_191 = arith.subi %add3A_70, %sub3A_190 : i32
        %mul3A_192 = arith.constant 80 : i32
        %mul3A_193 = arith.muli %sub3A_191, %mul3A_192 : i32
        %add3A_194 = arith.constant 0 : i32
        %add3A_195 = arith.addi %mul3A_193, %add3A_194 : i32
        %get3A_196 = arith.index_cast %add3A_195 : i32 to index
        %get3A_197 = tpu.vector_load %arg4[%get3A_196] {strides = array<i32>} : memref<3200xi32, #tpu.memory_space<vmem>>, vector<16xi32>,
        %add3A_198 = arith.constant 0 : i32
        %add3A_199 = vector.broadcast %add3A_198 : i32 to vector<16xi32>
        %add3A_200 = arith.addi %add3A_199, %iota3A : vector<16xi32>
        tpu.vector_store_idx %arg5[%add3A_200, %get3A_197], %broadcast_in_dim3A_30 : memref<80x128xf32, #tpu.memory_space<vmem>>[vector<16xi32>, vector<16xi32>], vector<16xf32>,
        %mul3A_201 = arith.constant 80 : i32
        %mul3A_202 = arith.muli %sub3A_191, %mul3A_201 : i32
        %add3A_203 = arith.constant 16 : i32
        %add3A_204 = arith.addi %mul3A_202, %add3A_203 : i32
        %get3A_205 = arith.index_cast %add3A_204 : i32 to index
        %get3A_206 = tpu.vector_load %arg4[%get3A_205] {strides = array<i32>} : memref<3200xi32, #tpu.memory_space<vmem>>, vector<16xi32>,
        %add3A_207 = arith.constant 16 : i32
        %add3A_208 = vector.broadcast %add3A_207 : i32 to vector<16xi32>
        %add3A_209 = arith.addi %add3A_208, %iota3A : vector<16xi32>
        tpu.vector_store_idx %arg5[%add3A_209, %get3A_206], %broadcast_in_dim3A_30 : memref<80x128xf32, #tpu.memory_space<vmem>>[vector<16xi32>, vector<16xi32>], vector<16xf32>,
        %mul3A_210 = arith.constant 80 : i32
        %mul3A_211 = arith.muli %sub3A_191, %mul3A_210 : i32
        %add3A_212 = arith.constant 32 : i32
        %add3A_213 = arith.addi %mul3A_211, %add3A_212 : i32
        %get3A_214 = arith.index_cast %add3A_213 : i32 to index
        %get3A_215 = tpu.vector_load %arg4[%get3A_214] {strides = array<i32>} : memref<3200xi32, #tpu.memory_space<vmem>>, vector<16xi32>,
        %add3A_216 = arith.constant 32 : i32
        %add3A_217 = vector.broadcast %add3A_216 : i32 to vector<16xi32>
        %add3A_218 = arith.addi %add3A_217, %iota3A : vector<16xi32>
        tpu.vector_store_idx %arg5[%add3A_218, %get3A_215], %broadcast_in_dim3A_30 : memref<80x128xf32, #tpu.memory_space<vmem>>[vector<16xi32>, vector<16xi32>], vector<16xf32>,
        %mul3A_219 = arith.constant 80 : i32
        %mul3A_220 = arith.muli %sub3A_191, %mul3A_219 : i32
        %add3A_221 = arith.constant 48 : i32
        %add3A_222 = arith.addi %mul3A_220, %add3A_221 : i32
        %get3A_223 = arith.index_cast %add3A_222 : i32 to index
        %get3A_224 = tpu.vector_load %arg4[%get3A_223] {strides = array<i32>} : memref<3200xi32, #tpu.memory_space<vmem>>, vector<16xi32>,
        %add3A_225 = arith.constant 48 : i32
        %add3A_226 = vector.broadcast %add3A_225 : i32 to vector<16xi32>
        %add3A_227 = arith.addi %add3A_226, %iota3A : vector<16xi32>
        tpu.vector_store_idx %arg5[%add3A_227, %get3A_224], %broadcast_in_dim3A_30 : memref<80x128xf32, #tpu.memory_space<vmem>>[vector<16xi32>, vector<16xi32>], vector<16xf32>,
        %mul3A_228 = arith.constant 80 : i32
        %mul3A_229 = arith.muli %sub3A_191, %mul3A_228 : i32
        %add3A_230 = arith.constant 64 : i32
        %add3A_231 = arith.addi %mul3A_229, %add3A_230 : i32
        %get3A_232 = arith.index_cast %add3A_231 : i32 to index
        %get3A_233 = tpu.vector_load %arg4[%get3A_232] {strides = array<i32>} : memref<3200xi32, #tpu.memory_space<vmem>>, vector<16xi32>,
        %add3A_234 = arith.constant 64 : i32
        %add3A_235 = vector.broadcast %add3A_234 : i32 to vector<16xi32>
        %add3A_236 = arith.addi %add3A_235, %iota3A : vector<16xi32>
        tpu.vector_store_idx %arg5[%add3A_236, %get3A_233], %broadcast_in_dim3A_30 : memref<80x128xf32, #tpu.memory_space<vmem>>[vector<16xi32>, vector<16xi32>], vector<16xf32>,
      } else {
      }
      %mul3A_78 = arith.constant 80 : i32
      %mul3A_79 = arith.muli %add3A_70, %mul3A_78 : i32
      %add3A_80 = arith.constant 0 : i32
      %add3A_81 = arith.addi %mul3A_79, %add3A_80 : i32
      %get3A = arith.index_cast %add3A_81 : i32 to index
      %get3A_82 = tpu.vector_load %arg4[%get3A] {strides = array<i32>} : memref<3200xi32, #tpu.memory_space<vmem>>, vector<16xi32>,
      %add3A_83 = arith.constant 0 : i32
      %add3A_84 = vector.broadcast %add3A_83 : i32 to vector<16xi32>
      %add3A_85 = arith.addi %add3A_84, %iota3A : vector<16xi32>
      tpu.vector_store_idx %arg5[%add3A_85, %get3A_82], %broadcast_in_dim3A_28 : memref<80x128xf32, #tpu.memory_space<vmem>>[vector<16xi32>, vector<16xi32>], vector<16xf32>,
      %mul3A_86 = arith.constant 80 : i32
      %mul3A_87 = arith.muli %add3A_70, %mul3A_86 : i32
      %add3A_88 = arith.constant 16 : i32
      %add3A_89 = arith.addi %mul3A_87, %add3A_88 : i32
      %get3A_90 = arith.index_cast %add3A_89 : i32 to index
      %get3A_91 = tpu.vector_load %arg4[%get3A_90] {strides = array<i32>} : memref<3200xi32, #tpu.memory_space<vmem>>, vector<16xi32>,
      %add3A_92 = arith.constant 16 : i32
      %add3A_93 = vector.broadcast %add3A_92 : i32 to vector<16xi32>
      %add3A_94 = arith.addi %add3A_93, %iota3A : vector<16xi32>
      tpu.vector_store_idx %arg5[%add3A_94, %get3A_91], %broadcast_in_dim3A_28 : memref<80x128xf32, #tpu.memory_space<vmem>>[vector<16xi32>, vector<16xi32>], vector<16xf32>,
      %mul3A_95 = arith.constant 80 : i32
      %mul3A_96 = arith.muli %add3A_70, %mul3A_95 : i32
      %add3A_97 = arith.constant 32 : i32
      %add3A_98 = arith.addi %mul3A_96, %add3A_97 : i32
      %get3A_99 = arith.index_cast %add3A_98 : i32 to index
      %get3A_100 = tpu.vector_load %arg4[%get3A_99] {strides = array<i32>} : memref<3200xi32, #tpu.memory_space<vmem>>, vector<16xi32>,
      %add3A_101 = arith.constant 32 : i32
      %add3A_102 = vector.broadcast %add3A_101 : i32 to vector<16xi32>
      %add3A_103 = arith.addi %add3A_102, %iota3A : vector<16xi32>
      tpu.vector_store_idx %arg5[%add3A_103, %get3A_100], %broadcast_in_dim3A_28 : memref<80x128xf32, #tpu.memory_space<vmem>>[vector<16xi32>, vector<16xi32>], vector<16xf32>,
      %mul3A_104 = arith.constant 80 : i32
      %mul3A_105 = arith.muli %add3A_70, %mul3A_104 : i32
      %add3A_106 = arith.constant 48 : i32
      %add3A_107 = arith.addi %mul3A_105, %add3A_106 : i32
      %get3A_108 = arith.index_cast %add3A_107 : i32 to index
      %get3A_109 = tpu.vector_load %arg4[%get3A_108] {strides = array<i32>} : memref<3200xi32, #tpu.memory_space<vmem>>, vector<16xi32>,
      %add3A_110 = arith.constant 48 : i32
      %add3A_111 = vector.broadcast %add3A_110 : i32 to vector<16xi32>
      %add3A_112 = arith.addi %add3A_111, %iota3A : vector<16xi32>
      tpu.vector_store_idx %arg5[%add3A_112, %get3A_109], %broadcast_in_dim3A_28 : memref<80x128xf32, #tpu.memory_space<vmem>>[vector<16xi32>, vector<16xi32>], vector<16xf32>,
      %mul3A_113 = arith.constant 80 : i32
      %mul3A_114 = arith.muli %add3A_70, %mul3A_113 : i32
      %add3A_115 = arith.constant 64 : i32
      %add3A_116 = arith.addi %mul3A_114, %add3A_115 : i32
      %get3A_117 = arith.index_cast %add3A_116 : i32 to index
      %get3A_118 = tpu.vector_load %arg4[%get3A_117] {strides = array<i32>} : memref<3200xi32, #tpu.memory_space<vmem>>, vector<16xi32>,
      %add3A_119 = arith.constant 64 : i32
      %add3A_120 = vector.broadcast %add3A_119 : i32 to vector<16xi32>
      %add3A_121 = arith.addi %add3A_120, %iota3A : vector<16xi32>
      tpu.vector_store_idx %arg5[%add3A_121, %get3A_118], %broadcast_in_dim3A_28 : memref<80x128xf32, #tpu.memory_space<vmem>>[vector<16xi32>, vector<16xi32>], vector<16xf32>,
      %dma_start3A = arith.constant 0 : i32
      %dma_start3A_122 = tpu.memref_slice %arg3[%add3A_73, %dma_start3A] : memref<100000x128xf32, #tpu.memory_space<hbm>> -> memref<80x128xf32, #tpu.memory_space<hbm>>
      %dma_start3A_123 = arith.constant 0 : i32
      %dma_start3A_124 = tpu.memref_slice %arg3[%add3A_73, %dma_start3A_123] : memref<100000x128xf32, #tpu.memory_space<hbm>> -> memref<80x128xf32, #tpu.memory_space<hbm>>
      tpu.enqueue_dma source(%arg5 : memref<80x128xf32, #tpu.memory_space<vmem>>) target(%dma_start3A_124 : memref<80x128xf32, #tpu.memory_space<hbm>>) target_semaphore(%arg7 : memref<!tpu.dma_semaphore, #tpu.memory_space<semaphore_mem>>)
      %mul3A_125 = arith.constant 2 : i32
      %mul3A_126 = arith.muli %mul3A_125, %while3A_66 : i32
      %add3A_127 = arith.constant 1 : i32
      %add3A_128 = arith.addi %mul3A_126, %add3A_127 : i32
      %mul3A_129 = arith.constant 80 : i32
      %mul3A_130 = arith.muli %add3A_128, %mul3A_129 : i32
      %add3A_131 = arith.addi %mul3A_2, %mul3A_130 : i32
      %gt3A_132 = arith.constant 0 : i32
      %gt3A_133 = arith.cmpi sgt, %while3A_66, %gt3A_132 : i32
      %convert_element_type3A_134 = arith.extui %gt3A_133 : i1 to i32
      %cond3A_135 = arith.constant 0 : i32
      %cond3A_136 = arith.cmpi ne, %convert_element_type3A_134, %cond3A_135 : i32
      scf.if %cond3A_136 {
        %dma_wait3A_186 = arith.constant 0 : i32
        %dma_wait3A_187 = tpu.memref_slice %arg3[%add3A_131, %dma_wait3A_186] : memref<100000x128xf32, #tpu.memory_space<hbm>> -> memref<80x128xf32, #tpu.memory_space<hbm>>
        %dma_wait3A_188 = arith.constant 0 : i32
        %dma_wait3A_189 = tpu.memref_slice %arg3[%add3A_131, %dma_wait3A_188] : memref<100000x128xf32, #tpu.memory_space<hbm>> -> memref<80x128xf32, #tpu.memory_space<hbm>>
        tpu.wait_dma2 semaphore(%arg8 : memref<!tpu.dma_semaphore, #tpu.memory_space<semaphore_mem>>) src(%arg6 : memref<80x128xf32, #tpu.memory_space<vmem>>) dst(%dma_wait3A_189 : memref<80x128xf32, #tpu.memory_space<hbm>>)
        %sub3A_190 = arith.constant 2 : i32
        %sub3A_191 = arith.subi %add3A_128, %sub3A_190 : i32
        %mul3A_192 = arith.constant 80 : i32
        %mul3A_193 = arith.muli %sub3A_191, %mul3A_192 : i32
        %add3A_194 = arith.constant 0 : i32
        %add3A_195 = arith.addi %mul3A_193, %add3A_194 : i32
        %get3A_196 = arith.index_cast %add3A_195 : i32 to index
        %get3A_197 = tpu.vector_load %arg4[%get3A_196] {strides = array<i32>} : memref<3200xi32, #tpu.memory_space<vmem>>, vector<16xi32>,
        %add3A_198 = arith.constant 0 : i32
        %add3A_199 = vector.broadcast %add3A_198 : i32 to vector<16xi32>
        %add3A_200 = arith.addi %add3A_199, %iota3A : vector<16xi32>
        tpu.vector_store_idx %arg6[%add3A_200, %get3A_197], %broadcast_in_dim3A_30 : memref<80x128xf32, #tpu.memory_space<vmem>>[vector<16xi32>, vector<16xi32>], vector<16xf32>,
        %mul3A_201 = arith.constant 80 : i32
        %mul3A_202 = arith.muli %sub3A_191, %mul3A_201 : i32
        %add3A_203 = arith.constant 16 : i32
        %add3A_204 = arith.addi %mul3A_202, %add3A_203 : i32
        %get3A_205 = arith.index_cast %add3A_204 : i32 to index
        %get3A_206 = tpu.vector_load %arg4[%get3A_205] {strides = array<i32>} : memref<3200xi32, #tpu.memory_space<vmem>>, vector<16xi32>,
        %add3A_207 = arith.constant 16 : i32
        %add3A_208 = vector.broadcast %add3A_207 : i32 to vector<16xi32>
        %add3A_209 = arith.addi %add3A_208, %iota3A : vector<16xi32>
        tpu.vector_store_idx %arg6[%add3A_209, %get3A_206], %broadcast_in_dim3A_30 : memref<80x128xf32, #tpu.memory_space<vmem>>[vector<16xi32>, vector<16xi32>], vector<16xf32>,
        %mul3A_210 = arith.constant 80 : i32
        %mul3A_211 = arith.muli %sub3A_191, %mul3A_210 : i32
        %add3A_212 = arith.constant 32 : i32
        %add3A_213 = arith.addi %mul3A_211, %add3A_212 : i32
        %get3A_214 = arith.index_cast %add3A_213 : i32 to index
        %get3A_215 = tpu.vector_load %arg4[%get3A_214] {strides = array<i32>} : memref<3200xi32, #tpu.memory_space<vmem>>, vector<16xi32>,
        %add3A_216 = arith.constant 32 : i32
        %add3A_217 = vector.broadcast %add3A_216 : i32 to vector<16xi32>
        %add3A_218 = arith.addi %add3A_217, %iota3A : vector<16xi32>
        tpu.vector_store_idx %arg6[%add3A_218, %get3A_215], %broadcast_in_dim3A_30 : memref<80x128xf32, #tpu.memory_space<vmem>>[vector<16xi32>, vector<16xi32>], vector<16xf32>,
        %mul3A_219 = arith.constant 80 : i32
        %mul3A_220 = arith.muli %sub3A_191, %mul3A_219 : i32
        %add3A_221 = arith.constant 48 : i32
        %add3A_222 = arith.addi %mul3A_220, %add3A_221 : i32
        %get3A_223 = arith.index_cast %add3A_222 : i32 to index
        %get3A_224 = tpu.vector_load %arg4[%get3A_223] {strides = array<i32>} : memref<3200xi32, #tpu.memory_space<vmem>>, vector<16xi32>,
        %add3A_225 = arith.constant 48 : i32
        %add3A_226 = vector.broadcast %add3A_225 : i32 to vector<16xi32>
        %add3A_227 = arith.addi %add3A_226, %iota3A : vector<16xi32>
        tpu.vector_store_idx %arg6[%add3A_227, %get3A_224], %broadcast_in_dim3A_30 : memref<80x128xf32, #tpu.memory_space<vmem>>[vector<16xi32>, vector<16xi32>], vector<16xf32>,
        %mul3A_228 = arith.constant 80 : i32
        %mul3A_229 = arith.muli %sub3A_191, %mul3A_228 : i32
        %add3A_230 = arith.constant 64 : i32
        %add3A_231 = arith.addi %mul3A_229, %add3A_230 : i32
        %get3A_232 = arith.index_cast %add3A_231 : i32 to index
        %get3A_233 = tpu.vector_load %arg4[%get3A_232] {strides = array<i32>} : memref<3200xi32, #tpu.memory_space<vmem>>, vector<16xi32>,
        %add3A_234 = arith.constant 64 : i32
        %add3A_235 = vector.broadcast %add3A_234 : i32 to vector<16xi32>
        %add3A_236 = arith.addi %add3A_235, %iota3A : vector<16xi32>
        tpu.vector_store_idx %arg6[%add3A_236, %get3A_233], %broadcast_in_dim3A_30 : memref<80x128xf32, #tpu.memory_space<vmem>>[vector<16xi32>, vector<16xi32>], vector<16xf32>,
      } else {
      }
      %mul3A_137 = arith.constant 80 : i32
      %mul3A_138 = arith.muli %add3A_128, %mul3A_137 : i32
      %add3A_139 = arith.constant 0 : i32
      %add3A_140 = arith.addi %mul3A_138, %add3A_139 : i32
      %get3A_141 = arith.index_cast %add3A_140 : i32 to index
      %get3A_142 = tpu.vector_load %arg4[%get3A_141] {strides = array<i32>} : memref<3200xi32, #tpu.memory_space<vmem>>, vector<16xi32>,
      %add3A_143 = arith.constant 0 : i32
      %add3A_144 = vector.broadcast %add3A_143 : i32 to vector<16xi32>
      %add3A_145 = arith.addi %add3A_144, %iota3A : vector<16xi32>
      tpu.vector_store_idx %arg6[%add3A_145, %get3A_142], %broadcast_in_dim3A_28 : memref<80x128xf32, #tpu.memory_space<vmem>>[vector<16xi32>, vector<16xi32>], vector<16xf32>,
      %mul3A_146 = arith.constant 80 : i32
      %mul3A_147 = arith.muli %add3A_128, %mul3A_146 : i32
      %add3A_148 = arith.constant 16 : i32
      %add3A_149 = arith.addi %mul3A_147, %add3A_148 : i32
      %get3A_150 = arith.index_cast %add3A_149 : i32 to index
      %get3A_151 = tpu.vector_load %arg4[%get3A_150] {strides = array<i32>} : memref<3200xi32, #tpu.memory_space<vmem>>, vector<16xi32>,
      %add3A_152 = arith.constant 16 : i32
      %add3A_153 = vector.broadcast %add3A_152 : i32 to vector<16xi32>
      %add3A_154 = arith.addi %add3A_153, %iota3A : vector<16xi32>
      tpu.vector_store_idx %arg6[%add3A_154, %get3A_151], %broadcast_in_dim3A_28 : memref<80x128xf32, #tpu.memory_space<vmem>>[vector<16xi32>, vector<16xi32>], vector<16xf32>,
      %mul3A_155 = arith.constant 80 : i32
      %mul3A_156 = arith.muli %add3A_128, %mul3A_155 : i32
      %add3A_157 = arith.constant 32 : i32
      %add3A_158 = arith.addi %mul3A_156, %add3A_157 : i32
      %get3A_159 = arith.index_cast %add3A_158 : i32 to index
      %get3A_160 = tpu.vector_load %arg4[%get3A_159] {strides = array<i32>} : memref<3200xi32, #tpu.memory_space<vmem>>, vector<16xi32>,
      %add3A_161 = arith.constant 32 : i32
      %add3A_162 = vector.broadcast %add3A_161 : i32 to vector<16xi32>
      %add3A_163 = arith.addi %add3A_162, %iota3A : vector<16xi32>
      tpu.vector_store_idx %arg6[%add3A_163, %get3A_160], %broadcast_in_dim3A_28 : memref<80x128xf32, #tpu.memory_space<vmem>>[vector<16xi32>, vector<16xi32>], vector<16xf32>,
      %mul3A_164 = arith.constant 80 : i32
      %mul3A_165 = arith.muli %add3A_128, %mul3A_164 : i32
      %add3A_166 = arith.constant 48 : i32
      %add3A_167 = arith.addi %mul3A_165, %add3A_166 : i32
      %get3A_168 = arith.index_cast %add3A_167 : i32 to index
      %get3A_169 = tpu.vector_load %arg4[%get3A_168] {strides = array<i32>} : memref<3200xi32, #tpu.memory_space<vmem>>, vector<16xi32>,
      %add3A_170 = arith.constant 48 : i32
      %add3A_171 = vector.broadcast %add3A_170 : i32 to vector<16xi32>
      %add3A_172 = arith.addi %add3A_171, %iota3A : vector<16xi32>
      tpu.vector_store_idx %arg6[%add3A_172, %get3A_169], %broadcast_in_dim3A_28 : memref<80x128xf32, #tpu.memory_space<vmem>>[vector<16xi32>, vector<16xi32>], vector<16xf32>,
      %mul3A_173 = arith.constant 80 : i32
      %mul3A_174 = arith.muli %add3A_128, %mul3A_173 : i32
      %add3A_175 = arith.constant 64 : i32
      %add3A_176 = arith.addi %mul3A_174, %add3A_175 : i32
      %get3A_177 = arith.index_cast %add3A_176 : i32 to index
      %get3A_178 = tpu.vector_load %arg4[%get3A_177] {strides = array<i32>} : memref<3200xi32, #tpu.memory_space<vmem>>, vector<16xi32>,
      %add3A_179 = arith.constant 64 : i32
      %add3A_180 = vector.broadcast %add3A_179 : i32 to vector<16xi32>
      %add3A_181 = arith.addi %add3A_180, %iota3A : vector<16xi32>
      tpu.vector_store_idx %arg6[%add3A_181, %get3A_178], %broadcast_in_dim3A_28 : memref<80x128xf32, #tpu.memory_space<vmem>>[vector<16xi32>, vector<16xi32>], vector<16xf32>,
      %dma_start3A_182 = arith.constant 0 : i32
      %dma_start3A_183 = tpu.memref_slice %arg3[%add3A_131, %dma_start3A_182] : memref<100000x128xf32, #tpu.memory_space<hbm>> -> memref<80x128xf32, #tpu.memory_space<hbm>>
      %dma_start3A_184 = arith.constant 0 : i32
      %dma_start3A_185 = tpu.memref_slice %arg3[%add3A_131, %dma_start3A_184] : memref<100000x128xf32, #tpu.memory_space<hbm>> -> memref<80x128xf32, #tpu.memory_space<hbm>>
      tpu.enqueue_dma source(%arg6 : memref<80x128xf32, #tpu.memory_space<vmem>>) target(%dma_start3A_185 : memref<80x128xf32, #tpu.memory_space<hbm>>) target_semaphore(%arg8 : memref<!tpu.dma_semaphore, #tpu.memory_space<semaphore_mem>>)
    }
    %while3A_54 = arith.constant 1 : i32
    scf.for %while3A_66 = %while3A_52 to %while3A_48 step %while3A_54  : i32 {
      %mul3A_67 = arith.constant 2 : i32
      %mul3A_68 = arith.muli %mul3A_67, %while3A_66 : i32
      %add3A_69 = arith.constant 0 : i32
      %add3A_70 = arith.addi %mul3A_68, %add3A_69 : i32
      %mul3A_71 = arith.constant 80 : i32
      %mul3A_72 = arith.muli %add3A_70, %mul3A_71 : i32
      %add3A_73 = arith.addi %mul3A_2, %mul3A_72 : i32
      %gt3A = arith.constant 0 : i32
      %gt3A_74 = arith.cmpi sgt, %while3A_66, %gt3A : i32
      %convert_element_type3A_75 = arith.extui %gt3A_74 : i1 to i32
      %cond3A_76 = arith.constant 0 : i32
      %cond3A_77 = arith.cmpi ne, %convert_element_type3A_75, %cond3A_76 : i32
      scf.if %cond3A_77 {
        %dma_wait3A_186 = arith.constant 0 : i32
        %dma_wait3A_187 = tpu.memref_slice %arg3[%add3A_73, %dma_wait3A_186] : memref<100000x128xf32, #tpu.memory_space<hbm>> -> memref<80x128xf32, #tpu.memory_space<hbm>>
        %dma_wait3A_188 = arith.constant 0 : i32
        %dma_wait3A_189 = tpu.memref_slice %arg3[%add3A_73, %dma_wait3A_188] : memref<100000x128xf32, #tpu.memory_space<hbm>> -> memref<80x128xf32, #tpu.memory_space<hbm>>
        tpu.wait_dma2 semaphore(%arg7 : memref<!tpu.dma_semaphore, #tpu.memory_space<semaphore_mem>>) src(%arg5 : memref<80x128xf32, #tpu.memory_space<vmem>>) dst(%dma_wait3A_189 : memref<80x128xf32, #tpu.memory_space<hbm>>)
        %sub3A_190 = arith.constant 2 : i32
        %sub3A_191 = arith.subi %add3A_70, %sub3A_190 : i32
        %mul3A_192 = arith.constant 80 : i32
        %mul3A_193 = arith.muli %sub3A_191, %mul3A_192 : i32
        %add3A_194 = arith.constant 0 : i32
        %add3A_195 = arith.addi %mul3A_193, %add3A_194 : i32
        %get3A_196 = arith.index_cast %add3A_195 : i32 to index
        %get3A_197 = tpu.vector_load %arg4[%get3A_196] {strides = array<i32>} : memref<3200xi32, #tpu.memory_space<vmem>>, vector<16xi32>,
        %add3A_198 = arith.constant 0 : i32
        %add3A_199 = vector.broadcast %add3A_198 : i32 to vector<16xi32>
        %add3A_200 = arith.addi %add3A_199, %iota3A : vector<16xi32>
        tpu.vector_store_idx %arg5[%add3A_200, %get3A_197], %broadcast_in_dim3A_30 : memref<80x128xf32, #tpu.memory_space<vmem>>[vector<16xi32>, vector<16xi32>], vector<16xf32>,
        %mul3A_201 = arith.constant 80 : i32
        %mul3A_202 = arith.muli %sub3A_191, %mul3A_201 : i32
        %add3A_203 = arith.constant 16 : i32
        %add3A_204 = arith.addi %mul3A_202, %add3A_203 : i32
        %get3A_205 = arith.index_cast %add3A_204 : i32 to index
        %get3A_206 = tpu.vector_load %arg4[%get3A_205] {strides = array<i32>} : memref<3200xi32, #tpu.memory_space<vmem>>, vector<16xi32>,
        %add3A_207 = arith.constant 16 : i32
        %add3A_208 = vector.broadcast %add3A_207 : i32 to vector<16xi32>
        %add3A_209 = arith.addi %add3A_208, %iota3A : vector<16xi32>
        tpu.vector_store_idx %arg5[%add3A_209, %get3A_206], %broadcast_in_dim3A_30 : memref<80x128xf32, #tpu.memory_space<vmem>>[vector<16xi32>, vector<16xi32>], vector<16xf32>,
        %mul3A_210 = arith.constant 80 : i32
        %mul3A_211 = arith.muli %sub3A_191, %mul3A_210 : i32
        %add3A_212 = arith.constant 32 : i32
        %add3A_213 = arith.addi %mul3A_211, %add3A_212 : i32
        %get3A_214 = arith.index_cast %add3A_213 : i32 to index
        %get3A_215 = tpu.vector_load %arg4[%get3A_214] {strides = array<i32>} : memref<3200xi32, #tpu.memory_space<vmem>>, vector<16xi32>,
        %add3A_216 = arith.constant 32 : i32
        %add3A_217 = vector.broadcast %add3A_216 : i32 to vector<16xi32>
        %add3A_218 = arith.addi %add3A_217, %iota3A : vector<16xi32>
        tpu.vector_store_idx %arg5[%add3A_218, %get3A_215], %broadcast_in_dim3A_30 : memref<80x128xf32, #tpu.memory_space<vmem>>[vector<16xi32>, vector<16xi32>], vector<16xf32>,
        %mul3A_219 = arith.constant 80 : i32
        %mul3A_220 = arith.muli %sub3A_191, %mul3A_219 : i32
        %add3A_221 = arith.constant 48 : i32
        %add3A_222 = arith.addi %mul3A_220, %add3A_221 : i32
        %get3A_223 = arith.index_cast %add3A_222 : i32 to index
        %get3A_224 = tpu.vector_load %arg4[%get3A_223] {strides = array<i32>} : memref<3200xi32, #tpu.memory_space<vmem>>, vector<16xi32>,
        %add3A_225 = arith.constant 48 : i32
        %add3A_226 = vector.broadcast %add3A_225 : i32 to vector<16xi32>
        %add3A_227 = arith.addi %add3A_226, %iota3A : vector<16xi32>
        tpu.vector_store_idx %arg5[%add3A_227, %get3A_224], %broadcast_in_dim3A_30 : memref<80x128xf32, #tpu.memory_space<vmem>>[vector<16xi32>, vector<16xi32>], vector<16xf32>,
        %mul3A_228 = arith.constant 80 : i32
        %mul3A_229 = arith.muli %sub3A_191, %mul3A_228 : i32
        %add3A_230 = arith.constant 64 : i32
        %add3A_231 = arith.addi %mul3A_229, %add3A_230 : i32
        %get3A_232 = arith.index_cast %add3A_231 : i32 to index
        %get3A_233 = tpu.vector_load %arg4[%get3A_232] {strides = array<i32>} : memref<3200xi32, #tpu.memory_space<vmem>>, vector<16xi32>,
        %add3A_234 = arith.constant 64 : i32
        %add3A_235 = vector.broadcast %add3A_234 : i32 to vector<16xi32>
        %add3A_236 = arith.addi %add3A_235, %iota3A : vector<16xi32>
        tpu.vector_store_idx %arg5[%add3A_236, %get3A_233], %broadcast_in_dim3A_30 : memref<80x128xf32, #tpu.memory_space<vmem>>[vector<16xi32>, vector<16xi32>], vector<16xf32>,
      } else {
      }
      %mul3A_78 = arith.constant 80 : i32
      %mul3A_79 = arith.muli %add3A_70, %mul3A_78 : i32
      %add3A_80 = arith.constant 0 : i32
      %add3A_81 = arith.addi %mul3A_79, %add3A_80 : i32
      %get3A = arith.index_cast %add3A_81 : i32 to index
      %get3A_82 = tpu.vector_load %arg4[%get3A] {strides = array<i32>} : memref<3200xi32, #tpu.memory_space<vmem>>, vector<16xi32>,
      %add3A_83 = arith.constant 0 : i32
      %add3A_84 = vector.broadcast %add3A_83 : i32 to vector<16xi32>
      %add3A_85 = arith.addi %add3A_84, %iota3A : vector<16xi32>
      tpu.vector_store_idx %arg5[%add3A_85, %get3A_82], %broadcast_in_dim3A_28 : memref<80x128xf32, #tpu.memory_space<vmem>>[vector<16xi32>, vector<16xi32>], vector<16xf32>,
      %mul3A_86 = arith.constant 80 : i32
      %mul3A_87 = arith.muli %add3A_70, %mul3A_86 : i32
      %add3A_88 = arith.constant 16 : i32
      %add3A_89 = arith.addi %mul3A_87, %add3A_88 : i32
      %get3A_90 = arith.index_cast %add3A_89 : i32 to index
      %get3A_91 = tpu.vector_load %arg4[%get3A_90] {strides = array<i32>} : memref<3200xi32, #tpu.memory_space<vmem>>, vector<16xi32>,
      %add3A_92 = arith.constant 16 : i32
      %add3A_93 = vector.broadcast %add3A_92 : i32 to vector<16xi32>
      %add3A_94 = arith.addi %add3A_93, %iota3A : vector<16xi32>
      tpu.vector_store_idx %arg5[%add3A_94, %get3A_91], %broadcast_in_dim3A_28 : memref<80x128xf32, #tpu.memory_space<vmem>>[vector<16xi32>, vector<16xi32>], vector<16xf32>,
      %mul3A_95 = arith.constant 80 : i32
      %mul3A_96 = arith.muli %add3A_70, %mul3A_95 : i32
      %add3A_97 = arith.constant 32 : i32
      %add3A_98 = arith.addi %mul3A_96, %add3A_97 : i32
      %get3A_99 = arith.index_cast %add3A_98 : i32 to index
      %get3A_100 = tpu.vector_load %arg4[%get3A_99] {strides = array<i32>} : memref<3200xi32, #tpu.memory_space<vmem>>, vector<16xi32>,
      %add3A_101 = arith.constant 32 : i32
      %add3A_102 = vector.broadcast %add3A_101 : i32 to vector<16xi32>
      %add3A_103 = arith.addi %add3A_102, %iota3A : vector<16xi32>
      tpu.vector_store_idx %arg5[%add3A_103, %get3A_100], %broadcast_in_dim3A_28 : memref<80x128xf32, #tpu.memory_space<vmem>>[vector<16xi32>, vector<16xi32>], vector<16xf32>,
      %mul3A_104 = arith.constant 80 : i32
      %mul3A_105 = arith.muli %add3A_70, %mul3A_104 : i32
      %add3A_106 = arith.constant 48 : i32
      %add3A_107 = arith.addi %mul3A_105, %add3A_106 : i32
      %get3A_108 = arith.index_cast %add3A_107 : i32 to index
      %get3A_109 = tpu.vector_load %arg4[%get3A_108] {strides = array<i32>} : memref<3200xi32, #tpu.memory_space<vmem>>, vector<16xi32>,
      %add3A_110 = arith.constant 48 : i32
      %add3A_111 = vector.broadcast %add3A_110 : i32 to vector<16xi32>
      %add3A_112 = arith.addi %add3A_111, %iota3A : vector<16xi32>
      tpu.vector_store_idx %arg5[%add3A_112, %get3A_109], %broadcast_in_dim3A_28 : memref<80x128xf32, #tpu.memory_space<vmem>>[vector<16xi32>, vector<16xi32>], vector<16xf32>,
      %mul3A_113 = arith.constant 80 : i32
      %mul3A_114 = arith.muli %add3A_70, %mul3A_113 : i32
      %add3A_115 = arith.constant 64 : i32
      %add3A_116 = arith.addi %mul3A_114, %add3A_115 : i32
      %get3A_117 = arith.index_cast %add3A_116 : i32 to index
      %get3A_118 = tpu.vector_load %arg4[%get3A_117] {strides = array<i32>} : memref<3200xi32, #tpu.memory_space<vmem>>, vector<16xi32>,
      %add3A_119 = arith.constant 64 : i32
      %add3A_120 = vector.broadcast %add3A_119 : i32 to vector<16xi32>
      %add3A_121 = arith.addi %add3A_120, %iota3A : vector<16xi32>
      tpu.vector_store_idx %arg5[%add3A_121, %get3A_118], %broadcast_in_dim3A_28 : memref<80x128xf32, #tpu.memory_space<vmem>>[vector<16xi32>, vector<16xi32>], vector<16xf32>,
      %dma_start3A = arith.constant 0 : i32
      %dma_start3A_122 = tpu.memref_slice %arg3[%add3A_73, %dma_start3A] : memref<100000x128xf32, #tpu.memory_space<hbm>> -> memref<80x128xf32, #tpu.memory_space<hbm>>
      %dma_start3A_123 = arith.constant 0 : i32
      %dma_start3A_124 = tpu.memref_slice %arg3[%add3A_73, %dma_start3A_123] : memref<100000x128xf32, #tpu.memory_space<hbm>> -> memref<80x128xf32, #tpu.memory_space<hbm>>
      tpu.enqueue_dma source(%arg5 : memref<80x128xf32, #tpu.memory_space<vmem>>) target(%dma_start3A_124 : memref<80x128xf32, #tpu.memory_space<hbm>>) target_semaphore(%arg7 : memref<!tpu.dma_semaphore, #tpu.memory_space<semaphore_mem>>)
      %mul3A_125 = arith.constant 2 : i32
      %mul3A_126 = arith.muli %mul3A_125, %while3A_66 : i32
      %add3A_127 = arith.constant 1 : i32
      %add3A_128 = arith.addi %mul3A_126, %add3A_127 : i32
      %mul3A_129 = arith.constant 80 : i32
      %mul3A_130 = arith.muli %add3A_128, %mul3A_129 : i32
      %add3A_131 = arith.addi %mul3A_2, %mul3A_130 : i32
      %gt3A_132 = arith.constant 0 : i32
      %gt3A_133 = arith.cmpi sgt, %while3A_66, %gt3A_132 : i32
      %convert_element_type3A_134 = arith.extui %gt3A_133 : i1 to i32
      %cond3A_135 = arith.constant 0 : i32
      %cond3A_136 = arith.cmpi ne, %convert_element_type3A_134, %cond3A_135 : i32
      scf.if %cond3A_136 {
        %dma_wait3A_186 = arith.constant 0 : i32
        %dma_wait3A_187 = tpu.memref_slice %arg3[%add3A_131, %dma_wait3A_186] : memref<100000x128xf32, #tpu.memory_space<hbm>> -> memref<80x128xf32, #tpu.memory_space<hbm>>
        %dma_wait3A_188 = arith.constant 0 : i32
        %dma_wait3A_189 = tpu.memref_slice %arg3[%add3A_131, %dma_wait3A_188] : memref<100000x128xf32, #tpu.memory_space<hbm>> -> memref<80x128xf32, #tpu.memory_space<hbm>>
        tpu.wait_dma2 semaphore(%arg8 : memref<!tpu.dma_semaphore, #tpu.memory_space<semaphore_mem>>) src(%arg6 : memref<80x128xf32, #tpu.memory_space<vmem>>) dst(%dma_wait3A_189 : memref<80x128xf32, #tpu.memory_space<hbm>>)
        %sub3A_190 = arith.constant 2 : i32
        %sub3A_191 = arith.subi %add3A_128, %sub3A_190 : i32
        %mul3A_192 = arith.constant 80 : i32
        %mul3A_193 = arith.muli %sub3A_191, %mul3A_192 : i32
        %add3A_194 = arith.constant 0 : i32
        %add3A_195 = arith.addi %mul3A_193, %add3A_194 : i32
        %get3A_196 = arith.index_cast %add3A_195 : i32 to index
        %get3A_197 = tpu.vector_load %arg4[%get3A_196] {strides = array<i32>} : memref<3200xi32, #tpu.memory_space<vmem>>, vector<16xi32>,
        %add3A_198 = arith.constant 0 : i32
        %add3A_199 = vector.broadcast %add3A_198 : i32 to vector<16xi32>
        %add3A_200 = arith.addi %add3A_199, %iota3A : vector<16xi32>
        tpu.vector_store_idx %arg6[%add3A_200, %get3A_197], %broadcast_in_dim3A_30 : memref<80x128xf32, #tpu.memory_space<vmem>>[vector<16xi32>, vector<16xi32>], vector<16xf32>,
        %mul3A_201 = arith.constant 80 : i32
        %mul3A_202 = arith.muli %sub3A_191, %mul3A_201 : i32
        %add3A_203 = arith.constant 16 : i32
        %add3A_204 = arith.addi %mul3A_202, %add3A_203 : i32
        %get3A_205 = arith.index_cast %add3A_204 : i32 to index
        %get3A_206 = tpu.vector_load %arg4[%get3A_205] {strides = array<i32>} : memref<3200xi32, #tpu.memory_space<vmem>>, vector<16xi32>,
        %add3A_207 = arith.constant 16 : i32
        %add3A_208 = vector.broadcast %add3A_207 : i32 to vector<16xi32>
        %add3A_209 = arith.addi %add3A_208, %iota3A : vector<16xi32>
        tpu.vector_store_idx %arg6[%add3A_209, %get3A_206], %broadcast_in_dim3A_30 : memref<80x128xf32, #tpu.memory_space<vmem>>[vector<16xi32>, vector<16xi32>], vector<16xf32>,
        %mul3A_210 = arith.constant 80 : i32
        %mul3A_211 = arith.muli %sub3A_191, %mul3A_210 : i32
        %add3A_212 = arith.constant 32 : i32
        %add3A_213 = arith.addi %mul3A_211, %add3A_212 : i32
        %get3A_214 = arith.index_cast %add3A_213 : i32 to index
        %get3A_215 = tpu.vector_load %arg4[%get3A_214] {strides = array<i32>} : memref<3200xi32, #tpu.memory_space<vmem>>, vector<16xi32>,
        %add3A_216 = arith.constant 32 : i32
        %add3A_217 = vector.broadcast %add3A_216 : i32 to vector<16xi32>
        %add3A_218 = arith.addi %add3A_217, %iota3A : vector<16xi32>
        tpu.vector_store_idx %arg6[%add3A_218, %get3A_215], %broadcast_in_dim3A_30 : memref<80x128xf32, #tpu.memory_space<vmem>>[vector<16xi32>, vector<16xi32>], vector<16xf32>,
        %mul3A_219 = arith.constant 80 : i32
        %mul3A_220 = arith.muli %sub3A_191, %mul3A_219 : i32
        %add3A_221 = arith.constant 48 : i32
        %add3A_222 = arith.addi %mul3A_220, %add3A_221 : i32
        %get3A_223 = arith.index_cast %add3A_222 : i32 to index
        %get3A_224 = tpu.vector_load %arg4[%get3A_223] {strides = array<i32>} : memref<3200xi32, #tpu.memory_space<vmem>>, vector<16xi32>,
        %add3A_225 = arith.constant 48 : i32
        %add3A_226 = vector.broadcast %add3A_225 : i32 to vector<16xi32>
        %add3A_227 = arith.addi %add3A_226, %iota3A : vector<16xi32>
        tpu.vector_store_idx %arg6[%add3A_227, %get3A_224], %broadcast_in_dim3A_30 : memref<80x128xf32, #tpu.memory_space<vmem>>[vector<16xi32>, vector<16xi32>], vector<16xf32>,
        %mul3A_228 = arith.constant 80 : i32
        %mul3A_229 = arith.muli %sub3A_191, %mul3A_228 : i32
        %add3A_230 = arith.constant 64 : i32
        %add3A_231 = arith.addi %mul3A_229, %add3A_230 : i32
        %get3A_232 = arith.index_cast %add3A_231 : i32 to index
        %get3A_233 = tpu.vector_load %arg4[%get3A_232] {strides = array<i32>} : memref<3200xi32, #tpu.memory_space<vmem>>, vector<16xi32>,
        %add3A_234 = arith.constant 64 : i32
        %add3A_235 = vector.broadcast %add3A_234 : i32 to vector<16xi32>
        %add3A_236 = arith.addi %add3A_235, %iota3A : vector<16xi32>
        tpu.vector_store_idx %arg6[%add3A_236, %get3A_233], %broadcast_in_dim3A_30 : memref<80x128xf32, #tpu.memory_space<vmem>>[vector<16xi32>, vector<16xi32>], vector<16xf32>,
      } else {
      }
      %mul3A_137 = arith.constant 80 : i32
      %mul3A_138 = arith.muli %add3A_128, %mul3A_137 : i32
      %add3A_139 = arith.constant 0 : i32
      %add3A_140 = arith.addi %mul3A_138, %add3A_139 : i32
      %get3A_141 = arith.index_cast %add3A_140 : i32 to index
      %get3A_142 = tpu.vector_load %arg4[%get3A_141] {strides = array<i32>} : memref<3200xi32, #tpu.memory_space<vmem>>, vector<16xi32>,
      %add3A_143 = arith.constant 0 : i32
      %add3A_144 = vector.broadcast %add3A_143 : i32 to vector<16xi32>
      %add3A_145 = arith.addi %add3A_144, %iota3A : vector<16xi32>
      tpu.vector_store_idx %arg6[%add3A_145, %get3A_142], %broadcast_in_dim3A_28 : memref<80x128xf32, #tpu.memory_space<vmem>>[vector<16xi32>, vector<16xi32>], vector<16xf32>,
      %mul3A_146 = arith.constant 80 : i32
      %mul3A_147 = arith.muli %add3A_128, %mul3A_146 : i32
      %add3A_148 = arith.constant 16 : i32
      %add3A_149 = arith.addi %mul3A_147, %add3A_148 : i32
      %get3A_150 = arith.index_cast %add3A_149 : i32 to index
      %get3A_151 = tpu.vector_load %arg4[%get3A_150] {strides = array<i32>} : memref<3200xi32, #tpu.memory_space<vmem>>, vector<16xi32>,
      %add3A_152 = arith.constant 16 : i32
      %add3A_153 = vector.broadcast %add3A_152 : i32 to vector<16xi32>
      %add3A_154 = arith.addi %add3A_153, %iota3A : vector<16xi32>
      tpu.vector_store_idx %arg6[%add3A_154, %get3A_151], %broadcast_in_dim3A_28 : memref<80x128xf32, #tpu.memory_space<vmem>>[vector<16xi32>, vector<16xi32>], vector<16xf32>,
      %mul3A_155 = arith.constant 80 : i32
      %mul3A_156 = arith.muli %add3A_128, %mul3A_155 : i32
      %add3A_157 = arith.constant 32 : i32
      %add3A_158 = arith.addi %mul3A_156, %add3A_157 : i32
      %get3A_159 = arith.index_cast %add3A_158 : i32 to index
      %get3A_160 = tpu.vector_load %arg4[%get3A_159] {strides = array<i32>} : memref<3200xi32, #tpu.memory_space<vmem>>, vector<16xi32>,
      %add3A_161 = arith.constant 32 : i32
      %add3A_162 = vector.broadcast %add3A_161 : i32 to vector<16xi32>
      %add3A_163 = arith.addi %add3A_162, %iota3A : vector<16xi32>
      tpu.vector_store_idx %arg6[%add3A_163, %get3A_160], %broadcast_in_dim3A_28 : memref<80x128xf32, #tpu.memory_space<vmem>>[vector<16xi32>, vector<16xi32>], vector<16xf32>,
      %mul3A_164 = arith.constant 80 : i32
      %mul3A_165 = arith.muli %add3A_128, %mul3A_164 : i32
      %add3A_166 = arith.constant 48 : i32
      %add3A_167 = arith.addi %mul3A_165, %add3A_166 : i32
      %get3A_168 = arith.index_cast %add3A_167 : i32 to index
      %get3A_169 = tpu.vector_load %arg4[%get3A_168] {strides = array<i32>} : memref<3200xi32, #tpu.memory_space<vmem>>, vector<16xi32>,
      %add3A_170 = arith.constant 48 : i32
      %add3A_171 = vector.broadcast %add3A_170 : i32 to vector<16xi32>
      %add3A_172 = arith.addi %add3A_171, %iota3A : vector<16xi32>
      tpu.vector_store_idx %arg6[%add3A_172, %get3A_169], %broadcast_in_dim3A_28 : memref<80x128xf32, #tpu.memory_space<vmem>>[vector<16xi32>, vector<16xi32>], vector<16xf32>,
      %mul3A_173 = arith.constant 80 : i32
      %mul3A_174 = arith.muli %add3A_128, %mul3A_173 : i32
      %add3A_175 = arith.constant 64 : i32
      %add3A_176 = arith.addi %mul3A_174, %add3A_175 : i32
      %get3A_177 = arith.index_cast %add3A_176 : i32 to index
      %get3A_178 = tpu.vector_load %arg4[%get3A_177] {strides = array<i32>} : memref<3200xi32, #tpu.memory_space<vmem>>, vector<16xi32>,
      %add3A_179 = arith.constant 64 : i32
      %add3A_180 = vector.broadcast %add3A_179 : i32 to vector<16xi32>
      %add3A_181 = arith.addi %add3A_180, %iota3A : vector<16xi32>
      tpu.vector_store_idx %arg6[%add3A_181, %get3A_178], %broadcast_in_dim3A_28 : memref<80x128xf32, #tpu.memory_space<vmem>>[vector<16xi32>, vector<16xi32>], vector<16xf32>,
      %dma_start3A_182 = arith.constant 0 : i32
      %dma_start3A_183 = tpu.memref_slice %arg3[%add3A_131, %dma_start3A_182] : memref<100000x128xf32, #tpu.memory_space<hbm>> -> memref<80x128xf32, #tpu.memory_space<hbm>>
      %dma_start3A_184 = arith.constant 0 : i32
      %dma_start3A_185 = tpu.memref_slice %arg3[%add3A_131, %dma_start3A_184] : memref<100000x128xf32, #tpu.memory_space<hbm>> -> memref<80x128xf32, #tpu.memory_space<hbm>>
      tpu.enqueue_dma source(%arg6 : memref<80x128xf32, #tpu.memory_space<vmem>>) target(%dma_start3A_185 : memref<80x128xf32, #tpu.memory_space<hbm>>) target_semaphore(%arg8 : memref<!tpu.dma_semaphore, #tpu.memory_space<semaphore_mem>>)
    }
    %dma_wait3A = arith.constant 0 : i32
    %dma_wait3A_55 = arith.constant 0 : i32
    %dma_wait3A_56 = tpu.memref_slice %arg3[%dma_wait3A, %dma_wait3A_55] : memref<100000x128xf32, #tpu.memory_space<hbm>> -> memref<80x128xf32, #tpu.memory_space<hbm>>
    %dma_wait3A_57 = arith.constant 0 : i32
    %dma_wait3A_58 = arith.constant 0 : i32
    %dma_wait3A_59 = tpu.memref_slice %arg3[%dma_wait3A_57, %dma_wait3A_58] : memref<100000x128xf32, #tpu.memory_space<hbm>> -> memref<80x128xf32, #tpu.memory_space<hbm>>
    tpu.wait_dma2 semaphore(%arg7 : memref<!tpu.dma_semaphore, #tpu.memory_space<semaphore_mem>>) src(%arg5 : memref<80x128xf32, #tpu.memory_space<vmem>>) dst(%dma_wait3A_59 : memref<80x128xf32, #tpu.memory_space<hbm>>)
    %dma_wait3A_60 = arith.constant 0 : i32
    %dma_wait3A_61 = arith.constant 0 : i32
    %dma_wait3A_62 = tpu.memref_slice %arg3[%dma_wait3A_60, %dma_wait3A_61] : memref<100000x128xf32, #tpu.memory_space<hbm>> -> memref<80x128xf32, #tpu.memory_space<hbm>>
    %dma_wait3A_63 = arith.constant 0 : i32
    %dma_wait3A_64 = arith.constant 0 : i32
    %dma_wait3A_65 = tpu.memref_slice %arg3[%dma_wait3A_63, %dma_wait3A_64] : memref<100000x128xf32, #tpu.memory_space<hbm>> -> memref<80x128xf32, #tpu.memory_space<hbm>>
    tpu.wait_dma2 semaphore(%arg8 : memref<!tpu.dma_semaphore, #tpu.memory_space<semaphore_mem>>) src(%arg6 : memref<80x128xf32, #tpu.memory_space<vmem>>) dst(%dma_wait3A_65 : memref<80x128xf32, #tpu.memory_space<hbm>>)
    return
  }
}

</mosaic_0001>

<sc_bundles>
// kernel: kernel.3.cloned.1.call-start
scs
__scs_entry_jumppad:
0x0: {  	(pc) =	sbr.rel $0x88, $3  }
0x1: {  	(tag) =	ssettag $0x0;
	lr =	simm.s32 $0x1  }
0x2: {  	[smem:$0x3FA0] =	sst lr;
	_ =	strace $0xD0000000  }
0x3: {  	_ = 	snop  }
0x4: {  	_ = 	snop  }
0x5: {  	_ = 	snop  }
0x6: {  	_ = 	snop  }
0x7: {  	_ = 	snop  }
__scs_overlays_trampoline_lowered:
0x8: {  	[smem:$0x3FAF] =	sst s0  }
0x9: {  	[smem:$0x3FB0] =	sst s1  }
0xa: {  	[smem:$0x3FB1] =	sst s2  }
0xb: {  	[smem:$0x3FB2] =	sst s3  }
0xc: {  	[smem:$0x3FB3] =	sst s4  }
0xd: {  	[smem:$0x3FB4] =	sst s5  }
0xe: {  	[smem:$0x3FB5] =	sst s6  }
0xf: {  	[smem:$0x3FB6] =	sst s7  }
0x10: {  	[smem:$0x3FB7] =	sst s8  }
0x11: {  	[smem:$0x3FB8] =	sst s9;
	s0 =	simm.s32 @!p0 $0x0  }
0x12: {  	s1 =	sld [smem:$0x3F9E];
	s0 =	simm.s32 @p0 $0x1  }
0x13: {  	[smem:$0x3FB9] =	sst s0;
	s0 =	simm.s32 @!p1 $0x0  }
0x14: {  	s2 =	sld [smem:$0x3F9D];
	s0 =	simm.s32 @p1 $0x1  }
0x15: {  	[smem:$0x3FBA] =	sst s0;
	s0 =	simm.s32 @!p2 $0x0  }
0x16: {  	s3 =	sld [smem:$0x3FDB];
	s0 =	simm.s32 @p2 $0x1  }
0x17: {  	s4 =	simm.s32 $0x1BF5;
	[smem:$0x3FBC] =	sst s0  }
0x18: {  	s0 =	sld [smem:$0x3F9F];
	_ =	swait.ge [sflag:s4], $0x0  }
0x19: {  	s7 =	sld [smem:$0x3FA0]  }
0x1a: {  	s8 =	sadd.s32 $0xFFFFE003, lr  }
0x1b: {  	s9 =	sadd.s32 $0xFFFFFEF7, lr;
	s5 =	simm.s32 $0xFFFFFFFF;
	p2 =	slt.u32 s8, $0xFFFFF086  }
0x1c: {  	p1 =	slt.u32 s9, $0xF7A;
	s5 =	simm.s32 @!p2 $0x0  }
0x1d: {  	s5 =	simm.s32 @p1 $0x1;
	p0 =	seq.s32 s7, s2  }
0x1e: {  	s7 =	smul.u32 @!p0 $0xF7A, s2;
	p2 =	seq.s32 @!p0 s5, $0x0  }
0x1f: {  	s9 =	smul.u32 $0xF7A, s1;
	s8 =	simm.s32 @!p0 $0x1BF5;
	p2 =	por !p2, p0  }
0x20: {  	[sflag:s8] =	ssyncset.s32 @!p0 $0xFFFFF086;
	s6 =	sadd.s32 @!p0 s3, s7;
	s7 =	simm.s32 @!p0 $0x108  }
0x21: {  	s3 =	sadd.s32 s3, s9;
	s6 =	sadd.s32 @!p0 $0x88, s6;
	s7 =	simm.s32 @p2 $0x1082  }
0x22: {  	[simem:s7], [sflag:s8] =	dma.local @!p0 [hbm:s6], $0xF7A  }
0x23: {  	s9 =	sor.u32 $0xD0000000, s2;
	s6 =	simm.s32 $0x108;
	_ =	swait.ge @!p0 [sflag:s8], $0x0  }
0x24: {  	s3 =	sadd.s32 $0x88, s3;
	s6 =	simm.s32 @!p1 $0x1082;
	[sflag:s4] =	ssyncset.s32 $0xFFFFF086  }
0x25: {  	[simem:s6], [sflag:s4] =	dma.local [hbm:s3], $0xF7A  }
0x26: {  	[smem:$0x3FA0] =	sst s1;
	(tag) =	ssettag s2;
	_ =	strace s9  }
0x27: {  	s1 =	sld [smem:$0x3FB0]  }
0x28: {  	s2 =	sld [smem:$0x3FB1]  }
0x29: {  	s4 =	sld [smem:$0x3FB3]  }
0x2a: {  	p0 =	seq.s32 s5, $0x0;
	s5 =	sld [smem:$0x3FB4]  }
0x2b: {  	s6 =	sld [smem:$0x3FB5]  }
0x2c: {  	s7 =	sld [smem:$0x3FB6]  }
0x2d: {  	s3 =	simm.s32 $0x108;
	s8 =	sld [smem:$0x3FB7]  }
0x2e: {  	s3 =	simm.s32 @!p0 $0x1082;
	s9 =	sld [smem:$0x3FB8]  }
0x2f: {  	lr =	sadd.s32 s0, s3;
	s0 =	sld [smem:$0x3FAF]  }
0x30: {  	s3 =	sld [smem:$0x3FB2]  }
0x31: {  	[smem:$0x3FBB] =	sst s10  }
0x32: {  	s10 =	sld [smem:$0x3FB9];
	_ =	sdelay $0x3  }
0x33: {  	p0 =	seq.s32 s10, $0x1;
	s10 =	sld [smem:$0x3FBB];
	_ =	sdelay $0x3  }
0x34: {  	[smem:$0x3FBB] =	sst s10  }
0x35: {  	s10 =	sld [smem:$0x3FBA];
	_ =	sdelay $0x3  }
0x36: {  	p1 =	seq.s32 s10, $0x1;
	s10 =	sld [smem:$0x3FBB];
	_ =	sdelay $0x3  }
0x37: {  	[smem:$0x3FBB] =	sst s10  }
0x38: {  	s10 =	sld [smem:$0x3FBC]  }
0x39: {  	_ = 	snop;
	(pc) =	sbr.ind lr, $3  }
0x3a: {  	_ = 	snop  }
0x3b: {  	_ = 	snop  }
0x3c: {  	p2 =	seq.s32 s10, $0x1;
	s10 =	sld [smem:$0x3FBB]  }
0x3d: {  	_ =	shalt  }
0x3e: {  	_ =	shalt  }
0x3f: {  	_ =	shalt  }
0x40: {  	_ =	shalt  }
0x41: {  	_ =	shalt  }
0x42: {  	_ =	shalt  }
0x43: {  	_ =	shalt  }
0x44: {  	_ =	shalt  }
0x45: {  	_ =	shalt  }
0x46: {  	_ =	shalt  }
0x47: {  	_ =	shalt  }
0x48: {  	_ =	shalt  }
0x49: {  	_ =	shalt  }
0x4a: {  	_ =	shalt  }
0x4b: {  	_ =	shalt  }
0x4c: {  	_ =	shalt  }
0x4d: {  	_ =	shalt  }
0x4e: {  	_ =	shalt  }
0x4f: {  	_ =	shalt  }
0x50: {  	_ =	shalt  }
0x51: {  	_ =	shalt  }
0x52: {  	_ =	shalt  }
0x53: {  	_ =	shalt  }
0x54: {  	_ =	shalt  }
0x55: {  	_ =	shalt  }
0x56: {  	_ =	shalt  }
0x57: {  	_ =	shalt  }
0x58: {  	_ =	shalt  }
0x59: {  	_ =	shalt  }
0x5a: {  	_ =	shalt  }
0x5b: {  	_ =	shalt  }
0x5c: {  	_ =	shalt  }
0x5d: {  	_ =	shalt  }
0x5e: {  	_ =	shalt  }
0x5f: {  	_ =	shalt  }
0x60: {  	_ =	shalt  }
0x61: {  	_ =	shalt  }
0x62: {  	_ =	shalt  }
0x63: {  	_ =	shalt  }
0x64: {  	_ =	shalt  }
0x65: {  	_ =	shalt  }
0x66: {  	_ =	shalt  }
0x67: {  	_ =	shalt  }
0x68: {  	_ =	shalt  }
0x69: {  	_ =	shalt  }
0x6a: {  	_ =	shalt  }
0x6b: {  	_ =	shalt  }
0x6c: {  	_ =	shalt  }
0x6d: {  	_ =	shalt  }
0x6e: {  	_ =	shalt  }
0x6f: {  	_ =	shalt  }
0x70: {  	_ =	shalt  }
0x71: {  	_ =	shalt  }
0x72: {  	_ =	shalt  }
0x73: {  	_ =	shalt  }
0x74: {  	_ =	shalt  }
0x75: {  	_ =	shalt  }
0x76: {  	_ =	shalt  }
0x77: {  	_ =	shalt  }
0x78: {  	_ =	shalt  }
0x79: {  	_ =	shalt  }
0x7a: {  	_ =	shalt  }
0x7b: {  	_ =	shalt  }
0x7c: {  	_ =	shalt  }
0x7d: {  	_ =	shalt  }
0x7e: {  	_ =	shalt  }
0x7f: {  	_ =	shalt  }
0x80: {  	_ =	shalt  }
0x81: {  	_ =	shalt  }
0x82: {  	_ =	shalt  }
0x83: {  	_ =	shalt  }
0x84: {  	_ =	shalt  }
0x85: {  	_ =	shalt  }
0x86: {  	_ =	shalt  }
0x87: {  	_ =	shalt  }
.Lfunc_end0:
.L_simem_size_0:
called_computation_lowered:
.L_overlay_start_0:
0x88: {  	s2 =	sld [smem:$0x3FD9]  }
0x89: {  	s3 =	sld [smem:$0x3FFE];
	_ =	sdelay $0x1  }
0x8a: {  	s1 =	srdreg.scid  }
0x8b: {  	s0 =	sand.u32 $0x1, s1  }
0x8c: {  	s18 =	sshll.u32 s0, $0xA;
	s2 =	sadd.s32 s3, s2  }
0x8d: {  	s2 =	sadd.s32 s2, s18  }
0x8e: {  	[smem:$0x3FC7] =	sst s2  }
0x8f: {  	_ = 	snop  }
0x90: {  	s2 =	sld [smem:$0x3FC9]  }
0x91: {  	s19 =	sld [smem:$0x3FD0];
	(tm) =	ssettm $0x1  }
0x92: {  	s4 =	sld [smem:$0x3FFB];
	_ =	sdelay $0x3  }
0x93: {  	_ =	strace s4  }
0x94: {  	s4 =	sld [smem:$0x3FFC];
	_ =	sdelay $0x3  }
0x95: {  	_ =	strace s4  }
0x96: {  	s4 =	sld [smem:$0x3FFD];
	_ =	sdelay $0x3  }
0x97: {  	_ =	strace s4  }
0x98: {  	_ =	strace $0x8FFFFFFF  }
0x99: {  	s20 =	sld [smem:$0x3FDB];
	_ =	sdelay $0x1  }
0x9a: {  	s5 =	simm.s32 $_scs_section_size  }
0x9b: {  	s6 =	simm.s32 $_size__tile_overlayer_lowered;
	s7 =	simm.s32 $_tile_overlayer_lowered  }
0x9c: {  	s23 =	simm.s32 $0x1BFF;
	s22 =	sshll.u32 s7, $0x1;
	s4 =	sadd.s32 s5, s20  }
0x9d: {  	s8 =	simm.s32 $0x0;
	s21 =	sshll.u32 s6, $0x1;
	s6 =	sadd.s32 s22, s4  }
0x9e: {  	[timem:s8], [sflag:s23] =	dma.local [hbm:s6], s21  }
0x9f: {  	_ =	swait.ge [sflag:s23], s21  }
0xa0: {  	s5 =	ssub.s32 $0x0, s21;
	[sflag:s23] =	ssyncset.done $0x0  }
0xa1: {  	[sflag:s23] =	ssyncadd.s32 s5;
	_ =	sdelay $0x1  }
0xa2: {  	s24 =	simm.s32 $0x1B8B  }
0xa3: {  	_ =	swait.ge [sflag:s24], $0x1  }
0xa4: {  	[sflag:s24] =	ssyncset.done $0x0  }
0xa5: {  	s25 =	simm.s32 $0x1B8E;
	[sflag:s24] =	ssyncadd.s32 $0xFFFFFFFF  }
0xa6: {  	s26 =	simm.s32 $execute0_lowered;
	[smem:$0x3FD2] =	sst s25  }
0xa7: {  	s5 =	sshll.u32 s26, $0x1;
	_ =	strace $0x80000046;
	[dreg:$0x1] =	wrdreg $0xFFFFFFFF  }
0xa8: {  	s28 =	simm.s32 $_size_execute0_lowered;
	s4 =	sadd.s32 s4, s5;
	[dreg:$0x0] =	wrdreg $0x0  }
0xa9: {  	s5 =	sshll.u32 s28, $0x1;
	[dreg:$0x2] =	wrdreg s4  }
0xaa: {  	[dreg:$0x3] =	wrdreg s5  }
0xab: {  	[dreg:$0x4] =	wrdreg $0xC0  }
0xac: {  	_ =	task [dreg:s8], $0x5FFFF  }
0xad: {  	[dreg:$0x1] =	wrdreg $0xFFFFFFFF  }
0xae: {  	[dreg:$0x0] =	wrdreg $0x60  }
0xaf: {  	[dreg:$0x2] =	wrdreg s2  }
0xb0: {  	[dreg:$0x3] =	wrdreg s19  }
0xb1: {  	[dreg:$0x4] =	wrdreg $0x9  }
0xb2: {  	_ =	task.clear_ibuf [dreg:s8], $0x5FFFF;
	_ =	strace $0x90000046  }
0xb3: {  	s29 =	simm.s32 $0x9;
	_ =	strace $0x80000048  }
0xb4: {  	_ =	swait.ge [sflag:s29], $0x1  }
0xb5: {  	[sflag:s29] =	ssyncadd.s32 $0xFFFFFFFF  }
0xb6: {  	_ =	strace $0x90000048  }
0xb7: {  	_ =	sfence  }
0xb8: {  	s30 =	sld [smem:$0x0];
	_ =	sdelay $0x2  }
0xb9: {  	s31 =	sshll.u32 s1, $0xD;
	s1 =	sshrl.u32 s1, $0x2  }
0xba: {  	s3 =	sand.u32 $0x4000, s31;
	s1 =	sadd.s32 s1, s30  }
0xbb: {  	s0 =	sor.u32 s3, s0;
	s1 =	sshll.u32 s1, $0x11  }
0xbc: {  	s0 =	sor.u32 s1, s0  }
0xbd: {  	s0 =	sadd.s32 $0x8F2B, s0  }
0xbe: {  	[sflag:s0] =	ssyncadd.remote.s32 $0x1  }
0xbf: {  	_ =	sfence.sel $0xFFFF  }
0xc0: {  	[dreg:$0x0] =	wrdreg $0xFFFFFFFF;
	(pc) =	sbr.abs _section_cstart, $3  }
0xc1: {  	[dreg:$0x1] =	wrdreg $0xFFFFFFFF  }
0xc2: {  	_ =	task.clear_ibuf [dreg:s8], $0x2FFFF;
	_ =	strace $0x9FFFFFFF  }
0xc3: {  	(tm) =	ssettm $0x7FFFFFFF  }
tec
execute0_lowered:
.L_overlay_start_1:
0x0: {  	(tag) =	ssettag $0x1  }
0x1: {  	s1 =	srdreg.scid;
	s0 =	stileid.u32  }
0x2: {  	s4 =	rddreg [dreg:$0x0];
	s3 =	sand.u32 $0x1, s1;
	s30 =	sshll.u32 s0, $0x1  }
0x3: {  	s6 =	rddreg [dreg:$0x1];
	s8 =	sor.u32 s3, s30  }
0x4: {  	s2 =	simm.s32 $0x0;
	s1 =	rddreg [dreg:$0x2];
	s5 =	smul.u32 $0xC80, s8  }
0x5: {  	s12 =	simm.s32 $0x0;
	[smem:$0x7FF] =	sst s2;
	s31 =	smul.u32 $0x19000, s0  }
0x6: {  	s9 =	ssub.s32 $0x2, s3;
	_ =	strace $0x80000047;
	s7 =	ssub.s32 $0x186A0, s5  }
0x7: {  	s11 =	smul.u32 $0xC800, s3;
	s10 =	sshrl.u32 s9, $0x1;
	s7 =	smin.u32 s7, $0xC80  }
0x8: {  	v0 =	vlaneseq.u32;
	p0 =	seq.s32 s8, $0x1F;
	s8 =	simm.s32 $0xC80;
	s7 =	smul.u32 $0xCCD, s7  }
0x9: {  	v0 =	vmul.u32 $0x80, v0;
	s9 =	ssub.s32 s9, s10;
	s10 =	sadd.s32 s31, s6;
	s5 =	sshrl.u32 s5, $0x3  }
0xa: {  	s3 =	sadd.s32 s4, s5;
	s4 =	sadd.s32 $0x3070, s4;
	s7 =	sshrl.u32 s7, $0x13  }
0xb: {  	v1 =	vimm.f32 $0.0e+00;
	v2 =	vimm.f32 $1.000000000e+00;
	v3 =	vor.u32 $0x800, v0;
	s5 =	smax.u32 s9, $0x1;
	s9 =	simm.s32 $0x3480;
	s6 =	smul.u32 $0xA00, s7  }
0xc: {  	v4 =	vor.u32 $0x1000, v0;
	v5 =	vor.u32 $0x1800, v0;
	v6 =	vor.u32 $0x2000, v0;
	s7 =	sadd.s32 s11, s10;
	s10 =	simm.s32 $0x1;
	s11 =	simm.s32 $0x2  }
.LBB2_1:
0xd: {  	s13 =	simm.s32 @p0 $0x0  }
0xe: {  	[tilespmem:s13], [sflag:$0x1] =	stream.linear.gather @p0 [hbm4b:s4+s13], $0x320, $0x38;
	[tilespmem:$0x5C80] =	vst v63  }
0xf: {  	s13 =	simm.s32 @!p0 $0x0  }
0x10: {  	[tilespmem:s13], [sflag:$0x1] =	stream.linear.gather @!p0 [hbm4b:s3+s13], $0xC80, $0x38;
	[tilespmem:$0x5C80] =	vst v63  }
0x11: {  	s14 =	simm.s32 $0x200;
	s13 =	simm.s32 $0x0  }
.LBB2_2:
0x12: {  	p1 =	sne.s32 s14, $0x9E00;
	[tilespmem:s13+$0x34F0] =	vst v1  }
0x13: {  	[tilespmem:s13+$0xC80] =	vst v1  }
0x14: {  	[tilespmem:s13+$0x3480] =	vst v1  }
0x15: {  	[tilespmem:s13+$0xC90] =	vst v1  }
0x16: {  	[tilespmem:s13+$0x3490] =	vst v1  }
0x17: {  	[tilespmem:s13+$0xCA0] =	vst v1  }
0x18: {  	[tilespmem:s13+$0x34A0] =	vst v1  }
0x19: {  	[tilespmem:s13+$0xCB0] =	vst v1  }
0x1a: {  	[tilespmem:s13+$0x34B0] =	vst v1  }
0x1b: {  	[tilespmem:s13+$0xCC0] =	vst v1  }
0x1c: {  	[tilespmem:s13+$0x34C0] =	vst v1  }
.Ltmp0:
0x1d: {  	[tilespmem:s13+$0xCD0] =	vst v1;
	(pc) =	sbr.rel @p1 .LBB2_2-.Ltmp0, $4  }
0x1e: {  	[tilespmem:s13+$0x34D0] =	vst v1  }
0x1f: {  	[tilespmem:s13+$0xCE0] =	vst v1  }
0x20: {  	[tilespmem:s13+$0x34E0] =	vst v1  }
0x21: {  	[tilespmem:s13+$0xCF0] =	vst v1;
	s13 =	sshra.s32 s14, $0x2;
	s14 =	sadd.s32 $0x200, s14  }
0x22: {  	[tilespmem:s13+$0x34F0] =	vst v1  }
0x23: {  	[tilespmem:s13+$0xC80] =	vst v1  }
0x24: {  	[tilespmem:s13+$0x3480] =	vst v1  }
0x25: {  	[tilespmem:s13+$0xC90] =	vst v1  }
0x26: {  	[tilespmem:s13+$0x3490] =	vst v1  }
0x27: {  	[tilespmem:s13+$0xCA0] =	vst v1  }
0x28: {  	[tilespmem:s13+$0x34A0] =	vst v1  }
0x29: {  	[tilespmem:s13+$0xCB0] =	vst v1  }
0x2a: {  	[tilespmem:s13+$0x34B0] =	vst v1  }
0x2b: {  	[tilespmem:s13+$0xCC0] =	vst v1  }
0x2c: {  	[tilespmem:s13+$0x34C0] =	vst v1  }
0x2d: {  	[tilespmem:s13+$0xCD0] =	vst v1  }
0x2e: {  	[tilespmem:s13+$0x34D0] =	vst v1  }
0x2f: {  	[tilespmem:s13+$0xCE0] =	vst v1  }
0x30: {  	[tilespmem:s13+$0x34E0] =	vst v1  }
0x31: {  	[tilespmem:s13+$0xCF0] =	vst v1;
	s13 =	simm.s32 @p0 $0x1  }
0x32: {  	_ =	swait.ge @p0 [sflag:s13], $0x320  }
0x33: {  	[sflag:s13] =	ssyncset.done @p0 $0x0  }
0x34: {  	[sflag:s13] =	ssyncadd.s32 @p0 $0xFFFFFCE0;
	s13 =	simm.s32 @!p0 $0x1  }
0x35: {  	_ =	swait.ge @!p0 [sflag:s13], $0xC80  }
0x36: {  	s14 =	simm.s32 $0x0;
	[sflag:s13] =	ssyncset.done @!p0 $0x0  }
0x37: {  	s15 =	simm.s32 $0x0;
	[sflag:s13] =	ssyncadd.s32 @!p0 $0xFFFFF380;
	s13 =	simm.s32 $0x0  }
.LBB2_4:
0x38: {  	p1 =	seq.s32 s15, $0x0  }
0x39: {  	s16 =	simm.s32 @!p1 $0x1  }
0x3a: {  	_ =	swait.ge @!p1 [sflag:s16], $0x2800  }
0x3b: {  	[sflag:s16] =	ssyncset.done @!p1 $0x0  }
0x3c: {  	[sflag:s16] =	ssyncadd.s32 @!p1 $0xFFFFD800  }
0x3d: {  	v7 =	vld @!p1 [tilespmem:s13+$0xFFFFFF60];
	_ =	sdelay $0x1  }
0x3e: {  	v8 =	vlaneseq.u32 @!p1  }
0x3f: {  	v8 =	vmul.u32 @!p1 $0x80, v8;
	_ =	sdelay $0x1  }
0x40: {  	v7 =	vadd.s32 @!p1 v8, v7;
	_ =	sdelay $0x3  }
0x41: {  	v9 =	vimm.f32 @!p1 $0.0e+00;
	s16 =	simm.s32 @!p1 $0xC80  }
0x42: {  	[tilespmem:v7+s16+$0x0] =	vst.idx.msk @!p1 $0xffff, v9  }
0x43: {  	v7 =	vld @!p1 [tilespmem:s13+$0xFFFFFF70];
	_ =	sdelay $0x3  }
0x44: {  	v10 =	vor.u32 @!p1 $0x800, v8  }
0x45: {  	v7 =	vadd.s32 @!p1 v10, v7;
	_ =	sdelay $0x4  }
0x46: {  	s17 =	sand.u32 @!p1 $0x7FFFFFE0, s14;
	[tilespmem:v7+s16+$0x0] =	vst.idx.msk @!p1 $0xffff, v9  }
0x47: {  	v7 =	vld @!p1 [tilespmem:s17+$0xFFFFFF80];
	_ =	sdelay $0x3  }
0x48: {  	v11 =	vor.u32 @!p1 $0x1000, v8  }
0x49: {  	v7 =	vadd.s32 @!p1 v11, v7;
	_ =	sdelay $0x4  }
0x4a: {  	[tilespmem:v7+s16+$0x0] =	vst.idx.msk @!p1 $0xffff, v9  }
0x4b: {  	v7 =	vld @!p1 [tilespmem:s13+$0xFFFFFF90];
	_ =	sdelay $0x3  }
0x4c: {  	v12 =	vor.u32 @!p1 $0x1800, v8  }
0x4d: {  	v7 =	vadd.s32 @!p1 v12, v7;
	_ =	sdelay $0x4  }
0x4e: {  	[tilespmem:v7+s16+$0x0] =	vst.idx.msk @!p1 $0xffff, v9  }
0x4f: {  	v7 =	vld @!p1 [tilespmem:s13+$0xFFFFFFA0];
	_ =	sdelay $0x3  }
0x50: {  	v13 =	vor.u32 @!p1 $0x2000, v8  }
0x51: {  	v7 =	vadd.s32 @!p1 v13, v7;
	_ =	sdelay $0x4  }
0x52: {  	[tilespmem:v7+s16+$0x0] =	vst.idx.msk @!p1 $0xffff, v9  }
0x53: {  	v7 =	vld [tilespmem:s13+$0x0];
	_ =	sdelay $0x4  }
0x54: {  	v7 =	vadd.s32 v0, v7;
	_ =	sdelay $0x4  }
0x55: {  	[tilespmem:v7+s8+$0x0] =	vst.idx.msk $0xffff, v2  }
0x56: {  	v7 =	vld [tilespmem:s13+$0x10];
	_ =	sdelay $0x4  }
0x57: {  	v7 =	vadd.s32 v3, v7;
	_ =	sdelay $0x4  }
0x58: {  	[tilespmem:v7+s8+$0x0] =	vst.idx.msk $0xffff, v2  }
0x59: {  	v7 =	vld [tilespmem:s13+$0x20];
	_ =	sdelay $0x4  }
0x5a: {  	v7 =	vadd.s32 v4, v7;
	_ =	sdelay $0x4  }
0x5b: {  	[tilespmem:v7+s8+$0x0] =	vst.idx.msk $0xffff, v2  }
0x5c: {  	v7 =	vld [tilespmem:s13+$0x30];
	_ =	sdelay $0x4  }
0x5d: {  	v7 =	vadd.s32 v5, v7;
	_ =	sdelay $0x4  }
0x5e: {  	[tilespmem:v7+s8+$0x0] =	vst.idx.msk $0xffff, v2  }
0x5f: {  	v7 =	vld [tilespmem:s13+$0x40];
	_ =	sdelay $0x4  }
0x60: {  	v7 =	vadd.s32 v6, v7;
	_ =	sdelay $0x4  }
0x61: {  	s30 =	sadd.s32 s15, s7;
	s17 =	simm.s32 @!p1 $0x2;
	[tilespmem:v7+s8+$0x0] =	vst.idx.msk $0xffff, v2  }
0x62: {  	[hbm4b:s30+s2] =	stream.linear.scatter [tilespmem:s8], [sflag:$0x1], $0x2800, $0x38;
	[tilespmem:$0x5C80] =	vst v63  }
0x63: {  	_ =	swait.ge @!p1 [sflag:s17], $0x2800  }
0x64: {  	[sflag:s17] =	ssyncset.done @!p1 $0x0  }
0x65: {  	[sflag:s17] =	ssyncadd.s32 @!p1 $0xFFFFD800  }
0x66: {  	v7 =	vld @!p1 [tilespmem:s13+$0xFFFFFFB0];
	_ =	sdelay $0x4  }
0x67: {  	v7 =	vadd.s32 @!p1 v8, v7;
	_ =	sdelay $0x3  }
0x68: {  	s17 =	simm.s32 @!p1 $0x3480  }
0x69: {  	[tilespmem:v7+s17+$0x0] =	vst.idx.msk @!p1 $0xffff, v9  }
0x6a: {  	v7 =	vld @!p1 [tilespmem:s13+$0xFFFFFFC0];
	_ =	sdelay $0x4  }
0x6b: {  	v7 =	vadd.s32 @!p1 v10, v7;
	_ =	sdelay $0x4  }
0x6c: {  	[tilespmem:v7+s17+$0x0] =	vst.idx.msk @!p1 $0xffff, v9  }
0x6d: {  	v7 =	vld @!p1 [tilespmem:s13+$0xFFFFFFD0];
	_ =	sdelay $0x4  }
0x6e: {  	v7 =	vadd.s32 @!p1 v11, v7;
	_ =	sdelay $0x4  }
0x6f: {  	[tilespmem:v7+s17+$0x0] =	vst.idx.msk @!p1 $0xffff, v9  }
0x70: {  	v7 =	vld @!p1 [tilespmem:s13+$0xFFFFFFE0];
	_ =	sdelay $0x4  }
0x71: {  	v7 =	vadd.s32 @!p1 v12, v7;
	_ =	sdelay $0x4  }
0x72: {  	[tilespmem:v7+s17+$0x0] =	vst.idx.msk @!p1 $0xffff, v9  }
0x73: {  	v7 =	vld @!p1 [tilespmem:s13+$0xFFFFFFF0];
	_ =	sdelay $0x4  }
0x74: {  	v7 =	vadd.s32 @!p1 v13, v7;
	_ =	sdelay $0x4  }
0x75: {  	[tilespmem:v7+s17+$0x0] =	vst.idx.msk @!p1 $0xffff, v9  }
0x76: {  	v7 =	vld [tilespmem:s13+$0x50];
	_ =	sdelay $0x4  }
0x77: {  	v7 =	vadd.s32 v0, v7;
	_ =	sdelay $0x4  }
0x78: {  	[tilespmem:v7+s9+$0x0] =	vst.idx.msk $0xffff, v2  }
0x79: {  	v7 =	vld [tilespmem:s13+$0x60];
	_ =	sdelay $0x4  }
0x7a: {  	v7 =	vadd.s32 v3, v7;
	_ =	sdelay $0x4  }
0x7b: {  	[tilespmem:v7+s9+$0x0] =	vst.idx.msk $0xffff, v2  }
0x7c: {  	v7 =	vld [tilespmem:s13+$0x70];
	_ =	sdelay $0x4  }
0x7d: {  	v7 =	vadd.s32 v4, v7;
	_ =	sdelay $0x4  }
0x7e: {  	s31 =	sand.u32 $0x7FFFFFE0, s14;
	[tilespmem:v7+s9+$0x0] =	vst.idx.msk $0xffff, v2  }
0x7f: {  	v7 =	vld [tilespmem:s31+$0x80];
	_ =	sdelay $0x4  }
0x80: {  	v7 =	vadd.s32 v5, v7;
	_ =	sdelay $0x4  }
0x81: {  	[tilespmem:v7+s9+$0x0] =	vst.idx.msk $0xffff, v2  }
0x82: {  	v7 =	vld [tilespmem:s13+$0x90];
	_ =	sdelay $0x4  }
0x83: {  	s15 =	sadd.s32 $0xA00, s15;
	v7 =	vadd.s32 v6, v7  }
0x84: {  	p1 =	sne.s32 s6, s15  }
.Ltmp1:
0x85: {  	_ = 	snop;
	(pc) =	sbr.rel @p1 .LBB2_4-.Ltmp1, $3  }
0x86: {  	_ =	sdelay $0x1  }
0x87: {  	s14 =	sadd.s32 $0xA0, s14;
	s16 =	sadd.s32 $0x500, s30;
	s13 =	sadd.s32 $0xA0, s13;
	[tilespmem:v7+s9+$0x0] =	vst.idx.msk $0xffff, v2  }
0x88: {  	[hbm4b:s16+s2] =	stream.linear.scatter [tilespmem:s9], [sflag:$0x2], $0x2800, $0x38;
	[tilespmem:$0x5C80] =	vst v63  }
0x89: {  	s12 =	sadd.s32 $0x1, s12  }
0x8a: {  	_ =	swait.ge [sflag:s10], $0x2800;
	p1 =	sne.s32 s12, s5  }
.Ltmp2:
0x8b: {  	[sflag:s10] =	ssyncset.done $0x0;
	(pc) =	sbr.rel @p1 .LBB2_1-.Ltmp2, $4  }
0x8c: {  	[sflag:s10] =	ssyncadd.s32 $0xFFFFD800  }
0x8d: {  	_ =	swait.ge [sflag:s11], $0x2800  }
0x8e: {  	[sflag:s11] =	ssyncset.done $0x0  }
0x8f: {  	[sflag:s11] =	ssyncadd.s32 $0xFFFFD800  }
0x90: {  	_ =	sfence.sel $0x180000  }
0x91: {  	[bflag:$0x0] =	sbarrier.arrive $0xFFFF  }
0x92: {  	p0 =	sne.s32 s0, $0x0;
	_ =	strace $0x90000047  }
0x93: {  	s0 =	sadd.s32 @!p0 $0x100000, s1;
	[bflag:$0x2] =	sbarrier.arrive $0xFFFF  }
0x94: {  	[sflag:s0] =	ssyncadd.tile.s32 @!p0 $0x1;
	_ =	shalt  }
.Lfunc_end2:
_tile_overlayer_lowered:
.L_overlay_start_2:
0x95: {  	(tag) =	ssettag $0x2  }
0x96: {  	s0 =	rddreg [dreg:$0x0];
	s2 =	stileid.u32  }
0x97: {  	s1 =	rddreg [dreg:$0x1];
	p0 =	sne.s32 s2, $0x0  }
0x98: {  	s3 =	rddreg [dreg:$0x2];
	[bflag:$0x3] =	sbarrier.arrive $0xFFFF;
	s2 =	simm.s32 @!p0 $0x1C03  }
0x99: {  	[timem:s3], [sflag:s2] =	dma.local @!p0 [hbm:s0], s1  }
0x9a: {  	s0 =	simm.s32 @!p0 $0x3  }
0x9b: {  	_ =	swait.ge @!p0 [sflag:s0], s1  }
0x9c: {  	s1 =	ssub.s32 @!p0 $0x0, s1;
	[sflag:s0] =	ssyncset.done @!p0 $0x0  }
0x9d: {  	[sflag:s0] =	ssyncadd.s32 @!p0 s1  }
0x9e: {  	[bflag:$0x3] =	sbarrier.arrive $0xFFFF  }
0x9f: {  	_ =	shalt  }

</sc_bundles>
